<compile_context>
chip_gen: v7x
topology: tpu7x:2x2x1
jax: 0.10.2.dev20260603
libtpu: 0.0.44.dev20260713+nightly
codegen_flags: <defaults>
</compile_context>

<pallas_src>
import functools

import jax
import jax.numpy as jnp
from jax import lax
from jax.experimental import pallas as pl
from jax.experimental.pallas import tpu as pltpu
from jax.experimental.pallas import tpu_sc as plsc

N_NODES = 10000
F = 128
NC = 2
NS = 16
LANES = 16
NW = NC * NS
K = 128
NPAD = 10240
ROWS_PER_TILE = NPAD // NS
SUP = 8
NBUF = 2


def _spmm_partials(x2d, rows3, cols3, lvflat, zeros2d):
  nch = rows3.shape[1]
  mesh = plsc.VectorSubcoreMesh(core_axis_name="c", subcore_axis_name="s")

  @functools.partial(
      pl.kernel,
      out_type=jax.ShapeDtypeStruct((NC, NPAD, F), jnp.float32),
      mesh=mesh,
      scratch_types=[
          pltpu.VMEM_SHARED((NPAD, F), jnp.float32),
          pltpu.VMEM((nch, K), jnp.int32),
          pltpu.VMEM((nch, K), jnp.int32),
          pltpu.VMEM((K * LANES,), jnp.float32),
          pltpu.VMEM((K, F), jnp.float32),
          pltpu.SemaphoreType.DMA,
          pltpu.SemaphoreType.DMA,
      ],
  )
  def spmm(x_hbm, rows_hbm, cols_hbm, lv_hbm, z_hbm, out_hbm,
           acc_sh, rows_v, cols_v, lv_v, xbuf, gsem, lsem):
    cid = lax.axis_index("c")
    sid = lax.axis_index("s")
    wid = sid * NC + cid

    base = sid * ROWS_PER_TILE
    pltpu.sync_copy(z_hbm.at[pl.ds(base, ROWS_PER_TILE)],
                    acc_sh.at[pl.ds(base, ROWS_PER_TILE)])
    pltpu.sync_copy(rows_hbm.at[wid], rows_v)
    pltpu.sync_copy(cols_hbm.at[wid], cols_v)
    plsc.subcore_barrier()

    def chunk(j, carry):
      gcp = pltpu.async_copy(x_hbm.at[cols_v.at[j]], xbuf, gsem)
      off = (wid * nch + j) * (K * LANES)
      pltpu.async_copy(lv_hbm.at[pl.ds(off, K * LANES)], lv_v, lsem).wait()
      gcp.wait()

      def edge(i, c2):
        lv = lv_v[pl.ds(i * LANES, LANES)]
        for f in range(F // LANES):
          sl = pl.ds(f * LANES, LANES)
          xbuf[i, sl] = xbuf[i, sl] * lv
        return c2

      lax.fori_loop(0, K, edge, 0)

      pltpu.sync_copy(xbuf, acc_sh.at[rows_v.at[j]], add=True)
      return carry

    lax.fori_loop(0, nch, chunk, 0)
    plsc.subcore_barrier()
    pltpu.sync_copy(acc_sh.at[pl.ds(base, ROWS_PER_TILE)],
                    out_hbm.at[cid, pl.ds(base, ROWS_PER_TILE)])

  return spmm(x2d, rows3, cols3, lvflat, zeros2d)


def _merge(parts):
  rb = 2048

  def body(p_ref, o_ref):
    o_ref[...] = p_ref[0] + p_ref[1]

  return pl.pallas_call(
      body,
      out_shape=jax.ShapeDtypeStruct((NPAD, F), jnp.float32),
      grid=(NPAD // rb,),
      in_specs=[pl.BlockSpec((NC, rb, F), lambda i: (0, i, 0))],
      out_specs=pl.BlockSpec((rb, F), lambda i: (i, 0)),
  )(parts)


def _finish(x2d, t1, qparts, wa, wb, wc, bias):
  rb = 2000

  def body(x_ref, t1_ref, q_ref, wa_ref, wb_ref, wc_ref, b_ref, o_ref):
    xb = x_ref[...]
    t2 = 2.0 * (q_ref[0] + q_ref[1]) - xb
    y = (jnp.dot(xb, wa_ref[...], preferred_element_type=jnp.float32)
         + jnp.dot(t1_ref[...], wb_ref[...], preferred_element_type=jnp.float32)
         + jnp.dot(t2, wc_ref[...], preferred_element_type=jnp.float32)
         + b_ref[...])
    o_ref[...] = jnp.where(y > 0.0, y, jnp.exp(jnp.minimum(y, 0.0)) - 1.0)

  wspec = pl.BlockSpec((F, F), lambda i: (0, 0))
  return pl.pallas_call(
      body,
      out_shape=jax.ShapeDtypeStruct((N_NODES, F), jnp.float32),
      grid=(N_NODES // rb,),
      in_specs=[
          pl.BlockSpec((rb, F), lambda i: (i, 0)),
          pl.BlockSpec((rb, F), lambda i: (i, 0)),
          pl.BlockSpec((NC, rb, F), lambda i: (0, i, 0)),
          wspec, wspec, wspec,
          pl.BlockSpec((1, F), lambda i: (0, 0)),
      ],
      out_specs=pl.BlockSpec((rb, F), lambda i: (i, 0)),
  )(x2d, t1, qparts, wa, wb, wc, bias)


def kernel(x, edge_index, L_vals, W, b):
  x2d = x.reshape(N_NODES, F)
  e = edge_index.shape[1]
  per_tile = -(-e // NW)
  nch = -(-per_tile // K)
  epad = NW * nch * K
  pad = epad - e
  rows = jnp.concatenate([edge_index[0], jnp.zeros((pad,), jnp.int32)])
  cols = jnp.concatenate([edge_index[1], jnp.zeros((pad,), jnp.int32)])
  lv = jnp.concatenate([L_vals, jnp.zeros((pad,), jnp.float32)])
  rows3 = rows.reshape(NW, nch, K)
  cols3 = cols.reshape(NW, nch, K)
  lvflat = jnp.broadcast_to(lv[:, None], (epad, LANES)).reshape(-1)
  zeros2d = jnp.zeros((NPAD, F), jnp.float32)
  xp = jnp.concatenate([x2d, jnp.zeros((NPAD - N_NODES, F), jnp.float32)])

  p1 = _spmm_partials(xp, rows3, cols3, lvflat, zeros2d)
  t1 = _merge(p1)
  q = _spmm_partials(t1, rows3, cols3, lvflat, zeros2d)

  wp = W.reshape(F, 3, F)
  out = _finish(x2d, t1[:N_NODES], q[:, :N_NODES], wp[:, 0, :], wp[:, 1, :],
                wp[:, 2, :], b.reshape(1, F))
  return out.reshape(1, N_NODES, F)

# --- scband reference (transcript-rebuilt; emitter-appended) ---
"""Pipeline reference for scband-cheb-conv-39479339384912 (READ-ONLY COPY).

The authoritative reference and input builder live on the scoring server;
editing this copy changes nothing except your own understanding.
"""

import jax, jax.numpy as jnp
import numpy as np

B = 1
N = 10000
E = 320000
F_IN = 128
F_OUT = 128
ORDER = 3


def setup_inputs(seed: int = 0) -> dict:
    key = jax.random.key(seed)
    k1, k2, k3 = jax.random.split(key, 3)
    x = jax.random.normal(k1, (B, N, F_IN), dtype=jnp.float32)
    edge_index = jax.random.randint(k2, (2, E), 0, N, dtype=jnp.int32)
    row = edge_index[0]
    col = edge_index[1]
    # L_tilde = -D^{-1/2} A D^{-1/2}, self-loops removed, stored as per-edge values
    deg = jnp.bincount(row, length=N).astype(jnp.float32)
    d_inv_sqrt = jnp.where(deg > 0, 1.0 / jnp.sqrt(deg), 0.0)
    L_vals = jnp.where(row != col, -(d_inv_sqrt[row] * d_inv_sqrt[col]), 0.0).astype(jnp.float32)
    # weight: trunc_normal std=0.1 ; bias: const 0.1
    W = (jax.random.truncated_normal(k3, -2.0, 2.0, (F_IN * ORDER, F_OUT), dtype=jnp.float32) * 0.1)
    b = jnp.full((F_OUT,), 0.1, dtype=jnp.float32)
    return {"x": x, "edge_index": edge_index, "L_vals": L_vals, "W": W, "b": b}


def _apply_sparse_to_batch(edge_index, L_vals, x):
    # y[b, row, :] += L_vals[e] * x[b, col, :]  (sparse matmul applied per batch)
    row = edge_index[0]
    col = edge_index[1]
    gathered = jnp.take(x, col, axis=1) * L_vals[None, :, None]
    return jax.vmap(lambda g: jax.ops.segment_sum(g, row, num_segments=N))(gathered)


def reference(x, edge_index, L_vals, W, b):
    chebs = [x]
    if ORDER > 1:
        chebs.append(_apply_sparse_to_batch(edge_index, L_vals, x))
    for _ in range(2, ORDER):
        xk = 2.0 * _apply_sparse_to_batch(edge_index, L_vals, chebs[-1]) - chebs[-2]
        chebs.append(xk)
    stacked = jnp.stack(chebs, axis=-1)          # [B, N, F_IN, ORDER]
    stacked = stacked.reshape(B * N, F_IN * ORDER)
    out = stacked @ W
    out = out + b
    out = out.reshape(B, N, F_OUT)
    out = jax.nn.elu(out)
    return out

if __name__ == "__main__":
    import jax
    _d = setup_inputs()
    print(jax.jit(kernel)(*tuple(_d.values())))

</pallas_src>

<mosaic_0001>
#map = affine_map<(d0, d1) -> (0, 0)>
#map1 = affine_map<(d0, d1) -> (0, 0, 0)>
#map2 = affine_map<(d0, d1) -> (0)>
module attributes {stable_mosaic.version = 14 : i64} {
  func.func @spmm(%arg0: i32, %arg1: i32, %arg2: memref<10240x128xf32, #tpu.memory_space<hbm>>, %arg3: memref<32x79x128xi32, #tpu.memory_space<hbm>>, %arg4: memref<32x79x128xi32, #tpu.memory_space<hbm>>, %arg5: memref<5177344xf32, #tpu.memory_space<hbm>>, %arg6: memref<10240x128xf32, #tpu.memory_space<hbm>>, %arg7: memref<2x10240x128xf32, #tpu.memory_space<hbm>>, %arg8: memref<10240x128xf32, #tpu.memory_space<vmem_shared>>, %arg9: memref<79x128xi32, #tpu.memory_space<vmem>>, %arg10: memref<79x128xi32, #tpu.memory_space<vmem>>, %arg11: memref<2048xf32, #tpu.memory_space<vmem>>, %arg12: memref<128x128xf32, #tpu.memory_space<vmem>>, %arg13: memref<!tpu.dma_semaphore, #tpu.memory_space<semaphore_mem>>, %arg14: memref<!tpu.dma_semaphore, #tpu.memory_space<semaphore_mem>>) attributes {dimension_semantics = [#tpu.dimension_semantics<core_parallel>, #tpu.dimension_semantics<subcore_parallel>], iteration_bounds = array<i64: 2, 16>, scalar_prefetch = 0 : i64, scratch_operands = 7 : i64, tpu.core_type = #tpu.core_type<sc_vector_subcore>, window_params = [{transform_indices = #map}, {transform_indices = #map1}, {transform_indices = #map1}, {transform_indices = #map2}, {transform_indices = #map}, {transform_indices = #map1}]} {
    %mul3A = arith.constant 2 : i32
    %mul3A_0 = arith.muli %arg1, %mul3A : i32
    %add3A = arith.addi %mul3A_0, %arg0 : i32
    %mul3A_1 = arith.constant 640 : i32
    %mul3A_2 = arith.muli %arg1, %mul3A_1 : i32
    "tpu.region"() ({
      %run_scoped3A = tpu.sem_alloc : memref<!tpu.dma_semaphore, #tpu.memory_space<semaphore_mem>>
      %dma_start3A = arith.constant 0 : i32
      %dma_start3A_9 = tpu.memref_slice %arg8[%mul3A_2, %dma_start3A] : memref<10240x128xf32, #tpu.memory_space<vmem_shared>> -> memref<640x128xf32, #tpu.memory_space<vmem_shared>>
      %dma_start3A_10 = arith.constant 0 : i32
      %dma_start3A_11 = tpu.memref_slice %arg6[%mul3A_2, %dma_start3A_10] : memref<10240x128xf32, #tpu.memory_space<hbm>> -> memref<640x128xf32, #tpu.memory_space<hbm>>
      tpu.enqueue_dma source(%dma_start3A_11 : memref<640x128xf32, #tpu.memory_space<hbm>>) target(%dma_start3A_9 : memref<640x128xf32, #tpu.memory_space<vmem_shared>>) target_semaphore(%run_scoped3A : memref<!tpu.dma_semaphore, #tpu.memory_space<semaphore_mem>>)
      %dma_wait3A = arith.constant 0 : i32
      %dma_wait3A_12 = tpu.memref_slice %arg8[%mul3A_2, %dma_wait3A] : memref<10240x128xf32, #tpu.memory_space<vmem_shared>> -> memref<640x128xf32, #tpu.memory_space<vmem_shared>>
      %dma_wait3A_13 = arith.constant 0 : i32
      %dma_wait3A_14 = tpu.memref_slice %arg6[%mul3A_2, %dma_wait3A_13] : memref<10240x128xf32, #tpu.memory_space<hbm>> -> memref<640x128xf32, #tpu.memory_space<hbm>>
      tpu.wait_dma2 semaphore(%run_scoped3A : memref<!tpu.dma_semaphore, #tpu.memory_space<semaphore_mem>>) src(%dma_wait3A_14 : memref<640x128xf32, #tpu.memory_space<hbm>>) dst(%dma_wait3A_12 : memref<640x128xf32, #tpu.memory_space<vmem_shared>>)
      tpu.yield
    }) : () -> ()
    "tpu.region"() ({
      %run_scoped3A = tpu.sem_alloc : memref<!tpu.dma_semaphore, #tpu.memory_space<semaphore_mem>>
      %dma_start3A = arith.constant 0 : i32
      %dma_start3A_9 = arith.constant 0 : i32
      %dma_start3A_10 = tpu.memref_slice %arg3[%add3A, %dma_start3A, %dma_start3A_9] : memref<32x79x128xi32, #tpu.memory_space<hbm>> -> memref<1x79x128xi32, #tpu.memory_space<hbm>>
      %dma_start3A_11 = tpu.memref_squeeze %dma_start3A_10 : memref<1x79x128xi32, #tpu.memory_space<hbm>> -> memref<79x128xi32, #tpu.memory_space<hbm>>
      %dma_start3A_12 = arith.constant 0 : i32
      %dma_start3A_13 = arith.constant 0 : i32
      %dma_start3A_14 = tpu.memref_slice %arg3[%add3A, %dma_start3A_12, %dma_start3A_13] : memref<32x79x128xi32, #tpu.memory_space<hbm>> -> memref<1x79x128xi32, #tpu.memory_space<hbm>>
      %dma_start3A_15 = tpu.memref_squeeze %dma_start3A_14 : memref<1x79x128xi32, #tpu.memory_space<hbm>> -> memref<79x128xi32, #tpu.memory_space<hbm>>
      tpu.enqueue_dma source(%dma_start3A_15 : memref<79x128xi32, #tpu.memory_space<hbm>>) target(%arg9 : memref<79x128xi32, #tpu.memory_space<vmem>>) target_semaphore(%run_scoped3A : memref<!tpu.dma_semaphore, #tpu.memory_space<semaphore_mem>>)
      %dma_wait3A = arith.constant 0 : i32
      %dma_wait3A_16 = arith.constant 0 : i32
      %dma_wait3A_17 = tpu.memref_slice %arg3[%add3A, %dma_wait3A, %dma_wait3A_16] : memref<32x79x128xi32, #tpu.memory_space<hbm>> -> memref<1x79x128xi32, #tpu.memory_space<hbm>>
      %dma_wait3A_18 = tpu.memref_squeeze %dma_wait3A_17 : memref<1x79x128xi32, #tpu.memory_space<hbm>> -> memref<79x128xi32, #tpu.memory_space<hbm>>
      %dma_wait3A_19 = arith.constant 0 : i32
      %dma_wait3A_20 = arith.constant 0 : i32
      %dma_wait3A_21 = tpu.memref_slice %arg3[%add3A, %dma_wait3A_19, %dma_wait3A_20] : memref<32x79x128xi32, #tpu.memory_space<hbm>> -> memref<1x79x128xi32, #tpu.memory_space<hbm>>
      %dma_wait3A_22 = tpu.memref_squeeze %dma_wait3A_21 : memref<1x79x128xi32, #tpu.memory_space<hbm>> -> memref<79x128xi32, #tpu.memory_space<hbm>>
      tpu.wait_dma2 semaphore(%run_scoped3A : memref<!tpu.dma_semaphore, #tpu.memory_space<semaphore_mem>>) src(%dma_wait3A_22 : memref<79x128xi32, #tpu.memory_space<hbm>>) dst(%arg9 : memref<79x128xi32, #tpu.memory_space<vmem>>)
      tpu.yield
    }) : () -> ()
    "tpu.region"() ({
      %run_scoped3A = tpu.sem_alloc : memref<!tpu.dma_semaphore, #tpu.memory_space<semaphore_mem>>
      %dma_start3A = arith.constant 0 : i32
      %dma_start3A_9 = arith.constant 0 : i32
      %dma_start3A_10 = tpu.memref_slice %arg4[%add3A, %dma_start3A, %dma_start3A_9] : memref<32x79x128xi32, #tpu.memory_space<hbm>> -> memref<1x79x128xi32, #tpu.memory_space<hbm>>
      %dma_start3A_11 = tpu.memref_squeeze %dma_start3A_10 : memref<1x79x128xi32, #tpu.memory_space<hbm>> -> memref<79x128xi32, #tpu.memory_space<hbm>>
      %dma_start3A_12 = arith.constant 0 : i32
      %dma_start3A_13 = arith.constant 0 : i32
      %dma_start3A_14 = tpu.memref_slice %arg4[%add3A, %dma_start3A_12, %dma_start3A_13] : memref<32x79x128xi32, #tpu.memory_space<hbm>> -> memref<1x79x128xi32, #tpu.memory_space<hbm>>
      %dma_start3A_15 = tpu.memref_squeeze %dma_start3A_14 : memref<1x79x128xi32, #tpu.memory_space<hbm>> -> memref<79x128xi32, #tpu.memory_space<hbm>>
      tpu.enqueue_dma source(%dma_start3A_15 : memref<79x128xi32, #tpu.memory_space<hbm>>) target(%arg10 : memref<79x128xi32, #tpu.memory_space<vmem>>) target_semaphore(%run_scoped3A : memref<!tpu.dma_semaphore, #tpu.memory_space<semaphore_mem>>)
      %dma_wait3A = arith.constant 0 : i32
      %dma_wait3A_16 = arith.constant 0 : i32
      %dma_wait3A_17 = tpu.memref_slice %arg4[%add3A, %dma_wait3A, %dma_wait3A_16] : memref<32x79x128xi32, #tpu.memory_space<hbm>> -> memref<1x79x128xi32, #tpu.memory_space<hbm>>
      %dma_wait3A_18 = tpu.memref_squeeze %dma_wait3A_17 : memref<1x79x128xi32, #tpu.memory_space<hbm>> -> memref<79x128xi32, #tpu.memory_space<hbm>>
      %dma_wait3A_19 = arith.constant 0 : i32
      %dma_wait3A_20 = arith.constant 0 : i32
      %dma_wait3A_21 = tpu.memref_slice %arg4[%add3A, %dma_wait3A_19, %dma_wait3A_20] : memref<32x79x128xi32, #tpu.memory_space<hbm>> -> memref<1x79x128xi32, #tpu.memory_space<hbm>>
      %dma_wait3A_22 = tpu.memref_squeeze %dma_wait3A_21 : memref<1x79x128xi32, #tpu.memory_space<hbm>> -> memref<79x128xi32, #tpu.memory_space<hbm>>
      tpu.wait_dma2 semaphore(%run_scoped3A : memref<!tpu.dma_semaphore, #tpu.memory_space<semaphore_mem>>) src(%dma_wait3A_22 : memref<79x128xi32, #tpu.memory_space<hbm>>) dst(%arg10 : memref<79x128xi32, #tpu.memory_space<vmem>>)
      tpu.yield
    }) : () -> ()
    %barrier3A = arith.constant 0 : index
    tpu.barrier barrier_id(%barrier3A)
    %scan3A = arith.constant 0 : i32
    %scan3A_3 = arith.constant 0 : i32
    %scan3A_4 = arith.constant 79 : i32
    %scan3A_5 = arith.addi %scan3A_3, %scan3A_4 : i32
    %scan3A_6 = arith.constant 1 : i32
    scf.for %scan3A_9 = %scan3A_3 to %scan3A_5 step %scan3A_6  : i32 {
      %dma_start3A = arith.constant 0 : i32
      %dma_start3A_10 = tpu.memref_slice %arg10[%scan3A_9, %dma_start3A] : memref<79x128xi32, #tpu.memory_space<vmem>> -> memref<1x128xi32, #tpu.memory_space<vmem>>
      %dma_start3A_11 = tpu.memref_squeeze %dma_start3A_10 : memref<1x128xi32, #tpu.memory_space<vmem>> -> memref<128xi32, #tpu.memory_space<vmem>>
      %dma_start3A_12 = arith.constant 0 : i32
      %dma_start3A_13 = arith.constant 0 : i32
      %dma_start3A_14 = tpu.memref_slice %arg2[%dma_start3A_12, %dma_start3A_13] : memref<10240x128xf32, #tpu.memory_space<hbm>> -> memref<10240x128xf32, #tpu.memory_space<hbm>>
      tpu.enqueue_indirect_dma source(%dma_start3A_14 : memref<10240x128xf32, #tpu.memory_space<hbm>>) target(%arg12 : memref<128x128xf32, #tpu.memory_space<vmem>>) offsets(%dma_start3A_11 : memref<128xi32, #tpu.memory_space<vmem>>) semaphore(%arg13 : memref<!tpu.dma_semaphore, #tpu.memory_space<semaphore_mem>>)
      %mul3A_15 = arith.constant 79 : i32
      %mul3A_16 = arith.muli %add3A, %mul3A_15 : i32
      %add3A_17 = arith.addi %mul3A_16, %scan3A_9 : i32
      %mul3A_18 = arith.constant 2048 : i32
      %mul3A_19 = arith.muli %add3A_17, %mul3A_18 : i32
      %dma_start3A_20 = tpu.memref_slice %arg5[%mul3A_19] : memref<5177344xf32, #tpu.memory_space<hbm>> -> memref<2048xf32, #tpu.memory_space<hbm>>
      %dma_start3A_21 = tpu.memref_slice %arg5[%mul3A_19] : memref<5177344xf32, #tpu.memory_space<hbm>> -> memref<2048xf32, #tpu.memory_space<hbm>>
      tpu.enqueue_dma source(%dma_start3A_21 : memref<2048xf32, #tpu.memory_space<hbm>>) target(%arg11 : memref<2048xf32, #tpu.memory_space<vmem>>) target_semaphore(%arg14 : memref<!tpu.dma_semaphore, #tpu.memory_space<semaphore_mem>>)
      %dma_wait3A = tpu.memref_slice %arg5[%mul3A_19] : memref<5177344xf32, #tpu.memory_space<hbm>> -> memref<2048xf32, #tpu.memory_space<hbm>>
      %dma_wait3A_22 = tpu.memref_slice %arg5[%mul3A_19] : memref<5177344xf32, #tpu.memory_space<hbm>> -> memref<2048xf32, #tpu.memory_space<hbm>>
      tpu.wait_dma2 semaphore(%arg14 : memref<!tpu.dma_semaphore, #tpu.memory_space<semaphore_mem>>) src(%dma_wait3A_22 : memref<2048xf32, #tpu.memory_space<hbm>>) dst(%arg11 : memref<2048xf32, #tpu.memory_space<vmem>>)
      %dma_wait3A_23 = arith.constant 0 : i32
      %dma_wait3A_24 = tpu.memref_slice %arg10[%scan3A_9, %dma_wait3A_23] : memref<79x128xi32, #tpu.memory_space<vmem>> -> memref<1x128xi32, #tpu.memory_space<vmem>>
      %dma_wait3A_25 = tpu.memref_squeeze %dma_wait3A_24 : memref<1x128xi32, #tpu.memory_space<vmem>> -> memref<128xi32, #tpu.memory_space<vmem>>
      %dma_wait3A_26 = arith.constant 0 : i32
      %dma_wait3A_27 = arith.constant 0 : i32
      %dma_wait3A_28 = tpu.memref_slice %arg2[%dma_wait3A_26, %dma_wait3A_27] : memref<10240x128xf32, #tpu.memory_space<hbm>> -> memref<10240x128xf32, #tpu.memory_space<hbm>>
      tpu.wait_indirect_dma semaphore(%arg13 : memref<!tpu.dma_semaphore, #tpu.memory_space<semaphore_mem>>) src(%dma_wait3A_28 : memref<10240x128xf32, #tpu.memory_space<hbm>>) dst(%arg12 : memref<128x128xf32, #tpu.memory_space<vmem>>)
      %scan3A_29 = arith.constant 0 : i32
      %scan3A_30 = arith.constant 0 : i32
      %scan3A_31 = arith.constant 128 : i32
      %scan3A_32 = arith.addi %scan3A_30, %scan3A_31 : i32
      %scan3A_33 = arith.constant 1 : i32
      scf.for %scan3A_35 = %scan3A_30 to %scan3A_32 step %scan3A_33  : i32 {
        %mul3A_36 = arith.constant 16 : i32
        %mul3A_37 = arith.muli %scan3A_35, %mul3A_36 : i32
        %get3A = arith.index_cast %mul3A_37 : i32 to index
        %get3A_38 = tpu.vector_load %arg11[%get3A] {strides = array<i32>} : memref<2048xf32, #tpu.memory_space<vmem>>, vector<16xf32>,
        %get3A_39 = vector.shape_cast %get3A_38 : vector<16xf32> to vector<16xf32>
        %get3A_40 = arith.index_cast %scan3A_35 : i32 to index
        %get3A_41 = arith.constant 0 : index
        %get3A_42 = tpu.vector_load %arg12[%get3A_40, %get3A_41] {strides = array<i32>} : memref<128x128xf32, #tpu.memory_space<vmem>>, vector<1x16xf32>,
        %get3A_43 = vector.shape_cast %get3A_42 : vector<1x16xf32> to vector<16xf32>
        %mul3A_44 = arith.mulf %get3A_43, %get3A_39 : vector<16xf32>
        %swap3A = arith.index_cast %scan3A_35 : i32 to index
        %swap3A_45 = arith.constant 0 : index
        %swap3A_46 = tpu.vector_load %arg12[%swap3A, %swap3A_45] {strides = array<i32>} : memref<128x128xf32, #tpu.memory_space<vmem>>, vector<1x16xf32>,
        %swap3A_47 = vector.shape_cast %swap3A_46 : vector<1x16xf32> to vector<16xf32>
        %swap3A_48 = vector.shape_cast %mul3A_44 : vector<16xf32> to vector<1x16xf32>
        tpu.vector_store %arg12[%swap3A, %swap3A_45], %swap3A_48 {strides = array<i32>} : memref<128x128xf32, #tpu.memory_space<vmem>>, vector<1x16xf32>,
        %get3A_49 = arith.index_cast %scan3A_35 : i32 to index
        %get3A_50 = arith.constant 16 : index
        %get3A_51 = tpu.vector_load %arg12[%get3A_49, %get3A_50] {strides = array<i32>} : memref<128x128xf32, #tpu.memory_space<vmem>>, vector<1x16xf32>,
        %get3A_52 = vector.shape_cast %get3A_51 : vector<1x16xf32> to vector<16xf32>
        %mul3A_53 = arith.mulf %get3A_52, %get3A_39 : vector<16xf32>
        %swap3A_54 = arith.index_cast %scan3A_35 : i32 to index
        %swap3A_55 = arith.constant 16 : index
        %swap3A_56 = tpu.vector_load %arg12[%swap3A_54, %swap3A_55] {strides = array<i32>} : memref<128x128xf32, #tpu.memory_space<vmem>>, vector<1x16xf32>,
        %swap3A_57 = vector.shape_cast %swap3A_56 : vector<1x16xf32> to vector<16xf32>
        %swap3A_58 = vector.shape_cast %mul3A_53 : vector<16xf32> to vector<1x16xf32>
        tpu.vector_store %arg12[%swap3A_54, %swap3A_55], %swap3A_58 {strides = array<i32>} : memref<128x128xf32, #tpu.memory_space<vmem>>, vector<1x16xf32>,
        %get3A_59 = arith.index_cast %scan3A_35 : i32 to index
        %get3A_60 = arith.constant 32 : index
        %get3A_61 = tpu.vector_load %arg12[%get3A_59, %get3A_60] {strides = array<i32>} : memref<128x128xf32, #tpu.memory_space<vmem>>, vector<1x16xf32>,
        %get3A_62 = vector.shape_cast %get3A_61 : vector<1x16xf32> to vector<16xf32>
        %mul3A_63 = arith.mulf %get3A_62, %get3A_39 : vector<16xf32>
        %swap3A_64 = arith.index_cast %scan3A_35 : i32 to index
        %swap3A_65 = arith.constant 32 : index
        %swap3A_66 = tpu.vector_load %arg12[%swap3A_64, %swap3A_65] {strides = array<i32>} : memref<128x128xf32, #tpu.memory_space<vmem>>, vector<1x16xf32>,
        %swap3A_67 = vector.shape_cast %swap3A_66 : vector<1x16xf32> to vector<16xf32>
        %swap3A_68 = vector.shape_cast %mul3A_63 : vector<16xf32> to vector<1x16xf32>
        tpu.vector_store %arg12[%swap3A_64, %swap3A_65], %swap3A_68 {strides = array<i32>} : memref<128x128xf32, #tpu.memory_space<vmem>>, vector<1x16xf32>,
        %get3A_69 = arith.index_cast %scan3A_35 : i32 to index
        %get3A_70 = arith.constant 48 : index
        %get3A_71 = tpu.vector_load %arg12[%get3A_69, %get3A_70] {strides = array<i32>} : memref<128x128xf32, #tpu.memory_space<vmem>>, vector<1x16xf32>,
        %get3A_72 = vector.shape_cast %get3A_71 : vector<1x16xf32> to vector<16xf32>
        %mul3A_73 = arith.mulf %get3A_72, %get3A_39 : vector<16xf32>
        %swap3A_74 = arith.index_cast %scan3A_35 : i32 to index
        %swap3A_75 = arith.constant 48 : index
        %swap3A_76 = tpu.vector_load %arg12[%swap3A_74, %swap3A_75] {strides = array<i32>} : memref<128x128xf32, #tpu.memory_space<vmem>>, vector<1x16xf32>,
        %swap3A_77 = vector.shape_cast %swap3A_76 : vector<1x16xf32> to vector<16xf32>
        %swap3A_78 = vector.shape_cast %mul3A_73 : vector<16xf32> to vector<1x16xf32>
        tpu.vector_store %arg12[%swap3A_74, %swap3A_75], %swap3A_78 {strides = array<i32>} : memref<128x128xf32, #tpu.memory_space<vmem>>, vector<1x16xf32>,
        %get3A_79 = arith.index_cast %scan3A_35 : i32 to index
        %get3A_80 = arith.constant 64 : index
        %get3A_81 = tpu.vector_load %arg12[%get3A_79, %get3A_80] {strides = array<i32>} : memref<128x128xf32, #tpu.memory_space<vmem>>, vector<1x16xf32>,
        %get3A_82 = vector.shape_cast %get3A_81 : vector<1x16xf32> to vector<16xf32>
        %mul3A_83 = arith.mulf %get3A_82, %get3A_39 : vector<16xf32>
        %swap3A_84 = arith.index_cast %scan3A_35 : i32 to index
        %swap3A_85 = arith.constant 64 : index
        %swap3A_86 = tpu.vector_load %arg12[%swap3A_84, %swap3A_85] {strides = array<i32>} : memref<128x128xf32, #tpu.memory_space<vmem>>, vector<1x16xf32>,
        %swap3A_87 = vector.shape_cast %swap3A_86 : vector<1x16xf32> to vector<16xf32>
        %swap3A_88 = vector.shape_cast %mul3A_83 : vector<16xf32> to vector<1x16xf32>
        tpu.vector_store %arg12[%swap3A_84, %swap3A_85], %swap3A_88 {strides = array<i32>} : memref<128x128xf32, #tpu.memory_space<vmem>>, vector<1x16xf32>,
        %get3A_89 = arith.index_cast %scan3A_35 : i32 to index
        %get3A_90 = arith.constant 80 : index
        %get3A_91 = tpu.vector_load %arg12[%get3A_89, %get3A_90] {strides = array<i32>} : memref<128x128xf32, #tpu.memory_space<vmem>>, vector<1x16xf32>,
        %get3A_92 = vector.shape_cast %get3A_91 : vector<1x16xf32> to vector<16xf32>
        %mul3A_93 = arith.mulf %get3A_92, %get3A_39 : vector<16xf32>
        %swap3A_94 = arith.index_cast %scan3A_35 : i32 to index
        %swap3A_95 = arith.constant 80 : index
        %swap3A_96 = tpu.vector_load %arg12[%swap3A_94, %swap3A_95] {strides = array<i32>} : memref<128x128xf32, #tpu.memory_space<vmem>>, vector<1x16xf32>,
        %swap3A_97 = vector.shape_cast %swap3A_96 : vector<1x16xf32> to vector<16xf32>
        %swap3A_98 = vector.shape_cast %mul3A_93 : vector<16xf32> to vector<1x16xf32>
        tpu.vector_store %arg12[%swap3A_94, %swap3A_95], %swap3A_98 {strides = array<i32>} : memref<128x128xf32, #tpu.memory_space<vmem>>, vector<1x16xf32>,
        %get3A_99 = arith.index_cast %scan3A_35 : i32 to index
        %get3A_100 = arith.constant 96 : index
        %get3A_101 = tpu.vector_load %arg12[%get3A_99, %get3A_100] {strides = array<i32>} : memref<128x128xf32, #tpu.memory_space<vmem>>, vector<1x16xf32>,
        %get3A_102 = vector.shape_cast %get3A_101 : vector<1x16xf32> to vector<16xf32>
        %mul3A_103 = arith.mulf %get3A_102, %get3A_39 : vector<16xf32>
        %swap3A_104 = arith.index_cast %scan3A_35 : i32 to index
        %swap3A_105 = arith.constant 96 : index
        %swap3A_106 = tpu.vector_load %arg12[%swap3A_104, %swap3A_105] {strides = array<i32>} : memref<128x128xf32, #tpu.memory_space<vmem>>, vector<1x16xf32>,
        %swap3A_107 = vector.shape_cast %swap3A_106 : vector<1x16xf32> to vector<16xf32>
        %swap3A_108 = vector.shape_cast %mul3A_103 : vector<16xf32> to vector<1x16xf32>
        tpu.vector_store %arg12[%swap3A_104, %swap3A_105], %swap3A_108 {strides = array<i32>} : memref<128x128xf32, #tpu.memory_space<vmem>>, vector<1x16xf32>,
        %get3A_109 = arith.index_cast %scan3A_35 : i32 to index
        %get3A_110 = arith.constant 112 : index
        %get3A_111 = tpu.vector_load %arg12[%get3A_109, %get3A_110] {strides = array<i32>} : memref<128x128xf32, #tpu.memory_space<vmem>>, vector<1x16xf32>,
        %get3A_112 = vector.shape_cast %get3A_111 : vector<1x16xf32> to vector<16xf32>
        %mul3A_113 = arith.mulf %get3A_112, %get3A_39 : vector<16xf32>
        %swap3A_114 = arith.index_cast %scan3A_35 : i32 to index
        %swap3A_115 = arith.constant 112 : index
        %swap3A_116 = tpu.vector_load %arg12[%swap3A_114, %swap3A_115] {strides = array<i32>} : memref<128x128xf32, #tpu.memory_space<vmem>>, vector<1x16xf32>,
        %swap3A_117 = vector.shape_cast %swap3A_116 : vector<1x16xf32> to vector<16xf32>
        %swap3A_118 = vector.shape_cast %mul3A_113 : vector<16xf32> to vector<1x16xf32>
        tpu.vector_store %arg12[%swap3A_114, %swap3A_115], %swap3A_118 {strides = array<i32>} : memref<128x128xf32, #tpu.memory_space<vmem>>, vector<1x16xf32>,
      }
      %scan3A_34 = arith.constant 128 : i32
      "tpu.region"() ({
        %run_scoped3A = tpu.sem_alloc : memref<!tpu.dma_semaphore, #tpu.memory_space<semaphore_mem>>
        %dma_start3A_35 = arith.constant 0 : i32
        %dma_start3A_36 = tpu.memref_slice %arg9[%scan3A_9, %dma_start3A_35] : memref<79x128xi32, #tpu.memory_space<vmem>> -> memref<1x128xi32, #tpu.memory_space<vmem>>
        %dma_start3A_37 = tpu.memref_squeeze %dma_start3A_36 : memref<1x128xi32, #tpu.memory_space<vmem>> -> memref<128xi32, #tpu.memory_space<vmem>>
        %dma_start3A_38 = arith.constant 0 : i32
        %dma_start3A_39 = arith.constant 0 : i32
        %dma_start3A_40 = tpu.memref_slice %arg8[%dma_start3A_38, %dma_start3A_39] : memref<10240x128xf32, #tpu.memory_space<vmem_shared>> -> memref<10240x128xf32, #tpu.memory_space<vmem_shared>>
        tpu.enqueue_indirect_dma source(%arg12 : memref<128x128xf32, #tpu.memory_space<vmem>>) target(%dma_start3A_40 : memref<10240x128xf32, #tpu.memory_space<vmem_shared>>) offsets(%dma_start3A_37 : memref<128xi32, #tpu.memory_space<vmem>>) semaphore(%run_scoped3A : memref<!tpu.dma_semaphore, #tpu.memory_space<semaphore_mem>>) {add = true}
        %dma_wait3A_41 = arith.constant 0 : i32
        %dma_wait3A_42 = tpu.memref_slice %arg9[%scan3A_9, %dma_wait3A_41] : memref<79x128xi32, #tpu.memory_space<vmem>> -> memref<1x128xi32, #tpu.memory_space<vmem>>
        %dma_wait3A_43 = tpu.memref_squeeze %dma_wait3A_42 : memref<1x128xi32, #tpu.memory_space<vmem>> -> memref<128xi32, #tpu.memory_space<vmem>>
        %dma_wait3A_44 = arith.constant 0 : i32
        %dma_wait3A_45 = arith.constant 0 : i32
        %dma_wait3A_46 = tpu.memref_slice %arg8[%dma_wait3A_44, %dma_wait3A_45] : memref<10240x128xf32, #tpu.memory_space<vmem_shared>> -> memref<10240x128xf32, #tpu.memory_space<vmem_shared>>
        tpu.wait_indirect_dma semaphore(%run_scoped3A : memref<!tpu.dma_semaphore, #tpu.memory_space<semaphore_mem>>) src(%arg12 : memref<128x128xf32, #tpu.memory_space<vmem>>) dst(%dma_wait3A_46 : memref<10240x128xf32, #tpu.memory_space<vmem_shared>>)
        tpu.yield
      }) : () -> ()
    }
    %scan3A_7 = arith.constant 79 : i32
    %barrier3A_8 = arith.constant 0 : index
    tpu.barrier barrier_id(%barrier3A_8)
    "tpu.region"() ({
      %run_scoped3A = tpu.sem_alloc : memref<!tpu.dma_semaphore, #tpu.memory_space<semaphore_mem>>
      %dma_start3A = arith.constant 0 : i32
      %dma_start3A_9 = tpu.memref_slice %arg7[%arg0, %mul3A_2, %dma_start3A] : memref<2x10240x128xf32, #tpu.memory_space<hbm>> -> memref<1x640x128xf32, #tpu.memory_space<hbm>>
      %dma_start3A_10 = tpu.memref_squeeze %dma_start3A_9 : memref<1x640x128xf32, #tpu.memory_space<hbm>> -> memref<640x128xf32, #tpu.memory_space<hbm>>
      %dma_start3A_11 = arith.constant 0 : i32
      %dma_start3A_12 = tpu.memref_slice %arg8[%mul3A_2, %dma_start3A_11] : memref<10240x128xf32, #tpu.memory_space<vmem_shared>> -> memref<640x128xf32, #tpu.memory_space<vmem_shared>>
      tpu.enqueue_dma source(%dma_start3A_12 : memref<640x128xf32, #tpu.memory_space<vmem_shared>>) target(%dma_start3A_10 : memref<640x128xf32, #tpu.memory_space<hbm>>) target_semaphore(%run_scoped3A : memref<!tpu.dma_semaphore, #tpu.memory_space<semaphore_mem>>)
      %dma_wait3A = arith.constant 0 : i32
      %dma_wait3A_13 = tpu.memref_slice %arg7[%arg0, %mul3A_2, %dma_wait3A] : memref<2x10240x128xf32, #tpu.memory_space<hbm>> -> memref<1x640x128xf32, #tpu.memory_space<hbm>>
      %dma_wait3A_14 = tpu.memref_squeeze %dma_wait3A_13 : memref<1x640x128xf32, #tpu.memory_space<hbm>> -> memref<640x128xf32, #tpu.memory_space<hbm>>
      %dma_wait3A_15 = arith.constant 0 : i32
      %dma_wait3A_16 = tpu.memref_slice %arg8[%mul3A_2, %dma_wait3A_15] : memref<10240x128xf32, #tpu.memory_space<vmem_shared>> -> memref<640x128xf32, #tpu.memory_space<vmem_shared>>
      tpu.wait_dma2 semaphore(%run_scoped3A : memref<!tpu.dma_semaphore, #tpu.memory_space<semaphore_mem>>) src(%dma_wait3A_16 : memref<640x128xf32, #tpu.memory_space<vmem_shared>>) dst(%dma_wait3A_14 : memref<640x128xf32, #tpu.memory_space<hbm>>)
      tpu.yield
    }) : () -> ()
    return
  }
}

#map = affine_map<(d0, d1) -> (0, 0)>
#map1 = affine_map<(d0, d1) -> (0, 0, 0)>
#map2 = affine_map<(d0, d1) -> (0)>
module attributes {stable_mosaic.version = 14 : i64} {
  func.func @spmm(%arg0: i32, %arg1: i32, %arg2: memref<10240x128xf32, #tpu.memory_space<hbm>>, %arg3: memref<32x79x128xi32, #tpu.memory_space<hbm>>, %arg4: memref<32x79x128xi32, #tpu.memory_space<hbm>>, %arg5: memref<5177344xf32, #tpu.memory_space<hbm>>, %arg6: memref<10240x128xf32, #tpu.memory_space<hbm>>, %arg7: memref<2x10240x128xf32, #tpu.memory_space<hbm>>, %arg8: memref<10240x128xf32, #tpu.memory_space<vmem_shared>>, %arg9: memref<79x128xi32, #tpu.memory_space<vmem>>, %arg10: memref<79x128xi32, #tpu.memory_space<vmem>>, %arg11: memref<2048xf32, #tpu.memory_space<vmem>>, %arg12: memref<128x128xf32, #tpu.memory_space<vmem>>, %arg13: memref<!tpu.dma_semaphore, #tpu.memory_space<semaphore_mem>>, %arg14: memref<!tpu.dma_semaphore, #tpu.memory_space<semaphore_mem>>) attributes {dimension_semantics = [#tpu.dimension_semantics<core_parallel>, #tpu.dimension_semantics<subcore_parallel>], iteration_bounds = array<i64: 2, 16>, scalar_prefetch = 0 : i64, scratch_operands = 7 : i64, tpu.core_type = #tpu.core_type<sc_vector_subcore>, window_params = [{transform_indices = #map}, {transform_indices = #map1}, {transform_indices = #map1}, {transform_indices = #map2}, {transform_indices = #map}, {transform_indices = #map1}]} {
    %mul3A = arith.constant 2 : i32
    %mul3A_0 = arith.muli %arg1, %mul3A : i32
    %add3A = arith.addi %mul3A_0, %arg0 : i32
    %mul3A_1 = arith.constant 640 : i32
    %mul3A_2 = arith.muli %arg1, %mul3A_1 : i32
    "tpu.region"() ({
      %run_scoped3A = tpu.sem_alloc : memref<!tpu.dma_semaphore, #tpu.memory_space<semaphore_mem>>
      %dma_start3A = arith.constant 0 : i32
      %dma_start3A_9 = tpu.memref_slice %arg8[%mul3A_2, %dma_start3A] : memref<10240x128xf32, #tpu.memory_space<vmem_shared>> -> memref<640x128xf32, #tpu.memory_space<vmem_shared>>
      %dma_start3A_10 = arith.constant 0 : i32
      %dma_start3A_11 = tpu.memref_slice %arg6[%mul3A_2, %dma_start3A_10] : memref<10240x128xf32, #tpu.memory_space<hbm>> -> memref<640x128xf32, #tpu.memory_space<hbm>>
      tpu.enqueue_dma source(%dma_start3A_11 : memref<640x128xf32, #tpu.memory_space<hbm>>) target(%dma_start3A_9 : memref<640x128xf32, #tpu.memory_space<vmem_shared>>) target_semaphore(%run_scoped3A : memref<!tpu.dma_semaphore, #tpu.memory_space<semaphore_mem>>)
      %dma_wait3A = arith.constant 0 : i32
      %dma_wait3A_12 = tpu.memref_slice %arg8[%mul3A_2, %dma_wait3A] : memref<10240x128xf32, #tpu.memory_space<vmem_shared>> -> memref<640x128xf32, #tpu.memory_space<vmem_shared>>
      %dma_wait3A_13 = arith.constant 0 : i32
      %dma_wait3A_14 = tpu.memref_slice %arg6[%mul3A_2, %dma_wait3A_13] : memref<10240x128xf32, #tpu.memory_space<hbm>> -> memref<640x128xf32, #tpu.memory_space<hbm>>
      tpu.wait_dma2 semaphore(%run_scoped3A : memref<!tpu.dma_semaphore, #tpu.memory_space<semaphore_mem>>) src(%dma_wait3A_14 : memref<640x128xf32, #tpu.memory_space<hbm>>) dst(%dma_wait3A_12 : memref<640x128xf32, #tpu.memory_space<vmem_shared>>)
      tpu.yield
    }) : () -> ()
    "tpu.region"() ({
      %run_scoped3A = tpu.sem_alloc : memref<!tpu.dma_semaphore, #tpu.memory_space<semaphore_mem>>
      %dma_start3A = arith.constant 0 : i32
      %dma_start3A_9 = arith.constant 0 : i32
      %dma_start3A_10 = tpu.memref_slice %arg3[%add3A, %dma_start3A, %dma_start3A_9] : memref<32x79x128xi32, #tpu.memory_space<hbm>> -> memref<1x79x128xi32, #tpu.memory_space<hbm>>
      %dma_start3A_11 = tpu.memref_squeeze %dma_start3A_10 : memref<1x79x128xi32, #tpu.memory_space<hbm>> -> memref<79x128xi32, #tpu.memory_space<hbm>>
      %dma_start3A_12 = arith.constant 0 : i32
      %dma_start3A_13 = arith.constant 0 : i32
      %dma_start3A_14 = tpu.memref_slice %arg3[%add3A, %dma_start3A_12, %dma_start3A_13] : memref<32x79x128xi32, #tpu.memory_space<hbm>> -> memref<1x79x128xi32, #tpu.memory_space<hbm>>
      %dma_start3A_15 = tpu.memref_squeeze %dma_start3A_14 : memref<1x79x128xi32, #tpu.memory_space<hbm>> -> memref<79x128xi32, #tpu.memory_space<hbm>>
      tpu.enqueue_dma source(%dma_start3A_15 : memref<79x128xi32, #tpu.memory_space<hbm>>) target(%arg9 : memref<79x128xi32, #tpu.memory_space<vmem>>) target_semaphore(%run_scoped3A : memref<!tpu.dma_semaphore, #tpu.memory_space<semaphore_mem>>)
      %dma_wait3A = arith.constant 0 : i32
      %dma_wait3A_16 = arith.constant 0 : i32
      %dma_wait3A_17 = tpu.memref_slice %arg3[%add3A, %dma_wait3A, %dma_wait3A_16] : memref<32x79x128xi32, #tpu.memory_space<hbm>> -> memref<1x79x128xi32, #tpu.memory_space<hbm>>
      %dma_wait3A_18 = tpu.memref_squeeze %dma_wait3A_17 : memref<1x79x128xi32, #tpu.memory_space<hbm>> -> memref<79x128xi32, #tpu.memory_space<hbm>>
      %dma_wait3A_19 = arith.constant 0 : i32
      %dma_wait3A_20 = arith.constant 0 : i32
      %dma_wait3A_21 = tpu.memref_slice %arg3[%add3A, %dma_wait3A_19, %dma_wait3A_20] : memref<32x79x128xi32, #tpu.memory_space<hbm>> -> memref<1x79x128xi32, #tpu.memory_space<hbm>>
      %dma_wait3A_22 = tpu.memref_squeeze %dma_wait3A_21 : memref<1x79x128xi32, #tpu.memory_space<hbm>> -> memref<79x128xi32, #tpu.memory_space<hbm>>
      tpu.wait_dma2 semaphore(%run_scoped3A : memref<!tpu.dma_semaphore, #tpu.memory_space<semaphore_mem>>) src(%dma_wait3A_22 : memref<79x128xi32, #tpu.memory_space<hbm>>) dst(%arg9 : memref<79x128xi32, #tpu.memory_space<vmem>>)
      tpu.yield
    }) : () -> ()
    "tpu.region"() ({
      %run_scoped3A = tpu.sem_alloc : memref<!tpu.dma_semaphore, #tpu.memory_space<semaphore_mem>>
      %dma_start3A = arith.constant 0 : i32
      %dma_start3A_9 = arith.constant 0 : i32
      %dma_start3A_10 = tpu.memref_slice %arg4[%add3A, %dma_start3A, %dma_start3A_9] : memref<32x79x128xi32, #tpu.memory_space<hbm>> -> memref<1x79x128xi32, #tpu.memory_space<hbm>>
      %dma_start3A_11 = tpu.memref_squeeze %dma_start3A_10 : memref<1x79x128xi32, #tpu.memory_space<hbm>> -> memref<79x128xi32, #tpu.memory_space<hbm>>
      %dma_start3A_12 = arith.constant 0 : i32
      %dma_start3A_13 = arith.constant 0 : i32
      %dma_start3A_14 = tpu.memref_slice %arg4[%add3A, %dma_start3A_12, %dma_start3A_13] : memref<32x79x128xi32, #tpu.memory_space<hbm>> -> memref<1x79x128xi32, #tpu.memory_space<hbm>>
      %dma_start3A_15 = tpu.memref_squeeze %dma_start3A_14 : memref<1x79x128xi32, #tpu.memory_space<hbm>> -> memref<79x128xi32, #tpu.memory_space<hbm>>
      tpu.enqueue_dma source(%dma_start3A_15 : memref<79x128xi32, #tpu.memory_space<hbm>>) target(%arg10 : memref<79x128xi32, #tpu.memory_space<vmem>>) target_semaphore(%run_scoped3A : memref<!tpu.dma_semaphore, #tpu.memory_space<semaphore_mem>>)
      %dma_wait3A = arith.constant 0 : i32
      %dma_wait3A_16 = arith.constant 0 : i32
      %dma_wait3A_17 = tpu.memref_slice %arg4[%add3A, %dma_wait3A, %dma_wait3A_16] : memref<32x79x128xi32, #tpu.memory_space<hbm>> -> memref<1x79x128xi32, #tpu.memory_space<hbm>>
      %dma_wait3A_18 = tpu.memref_squeeze %dma_wait3A_17 : memref<1x79x128xi32, #tpu.memory_space<hbm>> -> memref<79x128xi32, #tpu.memory_space<hbm>>
      %dma_wait3A_19 = arith.constant 0 : i32
      %dma_wait3A_20 = arith.constant 0 : i32
      %dma_wait3A_21 = tpu.memref_slice %arg4[%add3A, %dma_wait3A_19, %dma_wait3A_20] : memref<32x79x128xi32, #tpu.memory_space<hbm>> -> memref<1x79x128xi32, #tpu.memory_space<hbm>>
      %dma_wait3A_22 = tpu.memref_squeeze %dma_wait3A_21 : memref<1x79x128xi32, #tpu.memory_space<hbm>> -> memref<79x128xi32, #tpu.memory_space<hbm>>
      tpu.wait_dma2 semaphore(%run_scoped3A : memref<!tpu.dma_semaphore, #tpu.memory_space<semaphore_mem>>) src(%dma_wait3A_22 : memref<79x128xi32, #tpu.memory_space<hbm>>) dst(%arg10 : memref<79x128xi32, #tpu.memory_space<vmem>>)
      tpu.yield
    }) : () -> ()
    %barrier3A = arith.constant 0 : index
    tpu.barrier barrier_id(%barrier3A)
    %scan3A = arith.constant 0 : i32
    %scan3A_3 = arith.constant 0 : i32
    %scan3A_4 = arith.constant 79 : i32
    %scan3A_5 = arith.addi %scan3A_3, %scan3A_4 : i32
    %scan3A_6 = arith.constant 1 : i32
    scf.for %scan3A_9 = %scan3A_3 to %scan3A_5 step %scan3A_6  : i32 {
      %dma_start3A = arith.constant 0 : i32
      %dma_start3A_10 = tpu.memref_slice %arg10[%scan3A_9, %dma_start3A] : memref<79x128xi32, #tpu.memory_space<vmem>> -> memref<1x128xi32, #tpu.memory_space<vmem>>
      %dma_start3A_11 = tpu.memref_squeeze %dma_start3A_10 : memref<1x128xi32, #tpu.memory_space<vmem>> -> memref<128xi32, #tpu.memory_space<vmem>>
      %dma_start3A_12 = arith.constant 0 : i32
      %dma_start3A_13 = arith.constant 0 : i32
      %dma_start3A_14 = tpu.memref_slice %arg2[%dma_start3A_12, %dma_start3A_13] : memref<10240x128xf32, #tpu.memory_space<hbm>> -> memref<10240x128xf32, #tpu.memory_space<hbm>>
      tpu.enqueue_indirect_dma source(%dma_start3A_14 : memref<10240x128xf32, #tpu.memory_space<hbm>>) target(%arg12 : memref<128x128xf32, #tpu.memory_space<vmem>>) offsets(%dma_start3A_11 : memref<128xi32, #tpu.memory_space<vmem>>) semaphore(%arg13 : memref<!tpu.dma_semaphore, #tpu.memory_space<semaphore_mem>>)
      %mul3A_15 = arith.constant 79 : i32
      %mul3A_16 = arith.muli %add3A, %mul3A_15 : i32
      %add3A_17 = arith.addi %mul3A_16, %scan3A_9 : i32
      %mul3A_18 = arith.constant 2048 : i32
      %mul3A_19 = arith.muli %add3A_17, %mul3A_18 : i32
      %dma_start3A_20 = tpu.memref_slice %arg5[%mul3A_19] : memref<5177344xf32, #tpu.memory_space<hbm>> -> memref<2048xf32, #tpu.memory_space<hbm>>
      %dma_start3A_21 = tpu.memref_slice %arg5[%mul3A_19] : memref<5177344xf32, #tpu.memory_space<hbm>> -> memref<2048xf32, #tpu.memory_space<hbm>>
      tpu.enqueue_dma source(%dma_start3A_21 : memref<2048xf32, #tpu.memory_space<hbm>>) target(%arg11 : memref<2048xf32, #tpu.memory_space<vmem>>) target_semaphore(%arg14 : memref<!tpu.dma_semaphore, #tpu.memory_space<semaphore_mem>>)
      %dma_wait3A = tpu.memref_slice %arg5[%mul3A_19] : memref<5177344xf32, #tpu.memory_space<hbm>> -> memref<2048xf32, #tpu.memory_space<hbm>>
      %dma_wait3A_22 = tpu.memref_slice %arg5[%mul3A_19] : memref<5177344xf32, #tpu.memory_space<hbm>> -> memref<2048xf32, #tpu.memory_space<hbm>>
      tpu.wait_dma2 semaphore(%arg14 : memref<!tpu.dma_semaphore, #tpu.memory_space<semaphore_mem>>) src(%dma_wait3A_22 : memref<2048xf32, #tpu.memory_space<hbm>>) dst(%arg11 : memref<2048xf32, #tpu.memory_space<vmem>>)
      %dma_wait3A_23 = arith.constant 0 : i32
      %dma_wait3A_24 = tpu.memref_slice %arg10[%scan3A_9, %dma_wait3A_23] : memref<79x128xi32, #tpu.memory_space<vmem>> -> memref<1x128xi32, #tpu.memory_space<vmem>>
      %dma_wait3A_25 = tpu.memref_squeeze %dma_wait3A_24 : memref<1x128xi32, #tpu.memory_space<vmem>> -> memref<128xi32, #tpu.memory_space<vmem>>
      %dma_wait3A_26 = arith.constant 0 : i32
      %dma_wait3A_27 = arith.constant 0 : i32
      %dma_wait3A_28 = tpu.memref_slice %arg2[%dma_wait3A_26, %dma_wait3A_27] : memref<10240x128xf32, #tpu.memory_space<hbm>> -> memref<10240x128xf32, #tpu.memory_space<hbm>>
      tpu.wait_indirect_dma semaphore(%arg13 : memref<!tpu.dma_semaphore, #tpu.memory_space<semaphore_mem>>) src(%dma_wait3A_28 : memref<10240x128xf32, #tpu.memory_space<hbm>>) dst(%arg12 : memref<128x128xf32, #tpu.memory_space<vmem>>)
      %scan3A_29 = arith.constant 0 : i32
      %scan3A_30 = arith.constant 0 : i32
      %scan3A_31 = arith.constant 128 : i32
      %scan3A_32 = arith.addi %scan3A_30, %scan3A_31 : i32
      %scan3A_33 = arith.constant 1 : i32
      scf.for %scan3A_35 = %scan3A_30 to %scan3A_32 step %scan3A_33  : i32 {
        %mul3A_36 = arith.constant 16 : i32
        %mul3A_37 = arith.muli %scan3A_35, %mul3A_36 : i32
        %get3A = arith.index_cast %mul3A_37 : i32 to index
        %get3A_38 = tpu.vector_load %arg11[%get3A] {strides = array<i32>} : memref<2048xf32, #tpu.memory_space<vmem>>, vector<16xf32>,
        %get3A_39 = vector.shape_cast %get3A_38 : vector<16xf32> to vector<16xf32>
        %get3A_40 = arith.index_cast %scan3A_35 : i32 to index
        %get3A_41 = arith.constant 0 : index
        %get3A_42 = tpu.vector_load %arg12[%get3A_40, %get3A_41] {strides = array<i32>} : memref<128x128xf32, #tpu.memory_space<vmem>>, vector<1x16xf32>,
        %get3A_43 = vector.shape_cast %get3A_42 : vector<1x16xf32> to vector<16xf32>
        %mul3A_44 = arith.mulf %get3A_43, %get3A_39 : vector<16xf32>
        %swap3A = arith.index_cast %scan3A_35 : i32 to index
        %swap3A_45 = arith.constant 0 : index
        %swap3A_46 = tpu.vector_load %arg12[%swap3A, %swap3A_45] {strides = array<i32>} : memref<128x128xf32, #tpu.memory_space<vmem>>, vector<1x16xf32>,
        %swap3A_47 = vector.shape_cast %swap3A_46 : vector<1x16xf32> to vector<16xf32>
        %swap3A_48 = vector.shape_cast %mul3A_44 : vector<16xf32> to vector<1x16xf32>
        tpu.vector_store %arg12[%swap3A, %swap3A_45], %swap3A_48 {strides = array<i32>} : memref<128x128xf32, #tpu.memory_space<vmem>>, vector<1x16xf32>,
        %get3A_49 = arith.index_cast %scan3A_35 : i32 to index
        %get3A_50 = arith.constant 16 : index
        %get3A_51 = tpu.vector_load %arg12[%get3A_49, %get3A_50] {strides = array<i32>} : memref<128x128xf32, #tpu.memory_space<vmem>>, vector<1x16xf32>,
        %get3A_52 = vector.shape_cast %get3A_51 : vector<1x16xf32> to vector<16xf32>
        %mul3A_53 = arith.mulf %get3A_52, %get3A_39 : vector<16xf32>
        %swap3A_54 = arith.index_cast %scan3A_35 : i32 to index
        %swap3A_55 = arith.constant 16 : index
        %swap3A_56 = tpu.vector_load %arg12[%swap3A_54, %swap3A_55] {strides = array<i32>} : memref<128x128xf32, #tpu.memory_space<vmem>>, vector<1x16xf32>,
        %swap3A_57 = vector.shape_cast %swap3A_56 : vector<1x16xf32> to vector<16xf32>
        %swap3A_58 = vector.shape_cast %mul3A_53 : vector<16xf32> to vector<1x16xf32>
        tpu.vector_store %arg12[%swap3A_54, %swap3A_55], %swap3A_58 {strides = array<i32>} : memref<128x128xf32, #tpu.memory_space<vmem>>, vector<1x16xf32>,
        %get3A_59 = arith.index_cast %scan3A_35 : i32 to index
        %get3A_60 = arith.constant 32 : index
        %get3A_61 = tpu.vector_load %arg12[%get3A_59, %get3A_60] {strides = array<i32>} : memref<128x128xf32, #tpu.memory_space<vmem>>, vector<1x16xf32>,
        %get3A_62 = vector.shape_cast %get3A_61 : vector<1x16xf32> to vector<16xf32>
        %mul3A_63 = arith.mulf %get3A_62, %get3A_39 : vector<16xf32>
        %swap3A_64 = arith.index_cast %scan3A_35 : i32 to index
        %swap3A_65 = arith.constant 32 : index
        %swap3A_66 = tpu.vector_load %arg12[%swap3A_64, %swap3A_65] {strides = array<i32>} : memref<128x128xf32, #tpu.memory_space<vmem>>, vector<1x16xf32>,
        %swap3A_67 = vector.shape_cast %swap3A_66 : vector<1x16xf32> to vector<16xf32>
        %swap3A_68 = vector.shape_cast %mul3A_63 : vector<16xf32> to vector<1x16xf32>
        tpu.vector_store %arg12[%swap3A_64, %swap3A_65], %swap3A_68 {strides = array<i32>} : memref<128x128xf32, #tpu.memory_space<vmem>>, vector<1x16xf32>,
        %get3A_69 = arith.index_cast %scan3A_35 : i32 to index
        %get3A_70 = arith.constant 48 : index
        %get3A_71 = tpu.vector_load %arg12[%get3A_69, %get3A_70] {strides = array<i32>} : memref<128x128xf32, #tpu.memory_space<vmem>>, vector<1x16xf32>,
        %get3A_72 = vector.shape_cast %get3A_71 : vector<1x16xf32> to vector<16xf32>
        %mul3A_73 = arith.mulf %get3A_72, %get3A_39 : vector<16xf32>
        %swap3A_74 = arith.index_cast %scan3A_35 : i32 to index
        %swap3A_75 = arith.constant 48 : index
        %swap3A_76 = tpu.vector_load %arg12[%swap3A_74, %swap3A_75] {strides = array<i32>} : memref<128x128xf32, #tpu.memory_space<vmem>>, vector<1x16xf32>,
        %swap3A_77 = vector.shape_cast %swap3A_76 : vector<1x16xf32> to vector<16xf32>
        %swap3A_78 = vector.shape_cast %mul3A_73 : vector<16xf32> to vector<1x16xf32>
        tpu.vector_store %arg12[%swap3A_74, %swap3A_75], %swap3A_78 {strides = array<i32>} : memref<128x128xf32, #tpu.memory_space<vmem>>, vector<1x16xf32>,
        %get3A_79 = arith.index_cast %scan3A_35 : i32 to index
        %get3A_80 = arith.constant 64 : index
        %get3A_81 = tpu.vector_load %arg12[%get3A_79, %get3A_80] {strides = array<i32>} : memref<128x128xf32, #tpu.memory_space<vmem>>, vector<1x16xf32>,
        %get3A_82 = vector.shape_cast %get3A_81 : vector<1x16xf32> to vector<16xf32>
        %mul3A_83 = arith.mulf %get3A_82, %get3A_39 : vector<16xf32>
        %swap3A_84 = arith.index_cast %scan3A_35 : i32 to index
        %swap3A_85 = arith.constant 64 : index
        %swap3A_86 = tpu.vector_load %arg12[%swap3A_84, %swap3A_85] {strides = array<i32>} : memref<128x128xf32, #tpu.memory_space<vmem>>, vector<1x16xf32>,
        %swap3A_87 = vector.shape_cast %swap3A_86 : vector<1x16xf32> to vector<16xf32>
        %swap3A_88 = vector.shape_cast %mul3A_83 : vector<16xf32> to vector<1x16xf32>
        tpu.vector_store %arg12[%swap3A_84, %swap3A_85], %swap3A_88 {strides = array<i32>} : memref<128x128xf32, #tpu.memory_space<vmem>>, vector<1x16xf32>,
        %get3A_89 = arith.index_cast %scan3A_35 : i32 to index
        %get3A_90 = arith.constant 80 : index
        %get3A_91 = tpu.vector_load %arg12[%get3A_89, %get3A_90] {strides = array<i32>} : memref<128x128xf32, #tpu.memory_space<vmem>>, vector<1x16xf32>,
        %get3A_92 = vector.shape_cast %get3A_91 : vector<1x16xf32> to vector<16xf32>
        %mul3A_93 = arith.mulf %get3A_92, %get3A_39 : vector<16xf32>
        %swap3A_94 = arith.index_cast %scan3A_35 : i32 to index
        %swap3A_95 = arith.constant 80 : index
        %swap3A_96 = tpu.vector_load %arg12[%swap3A_94, %swap3A_95] {strides = array<i32>} : memref<128x128xf32, #tpu.memory_space<vmem>>, vector<1x16xf32>,
        %swap3A_97 = vector.shape_cast %swap3A_96 : vector<1x16xf32> to vector<16xf32>
        %swap3A_98 = vector.shape_cast %mul3A_93 : vector<16xf32> to vector<1x16xf32>
        tpu.vector_store %arg12[%swap3A_94, %swap3A_95], %swap3A_98 {strides = array<i32>} : memref<128x128xf32, #tpu.memory_space<vmem>>, vector<1x16xf32>,
        %get3A_99 = arith.index_cast %scan3A_35 : i32 to index
        %get3A_100 = arith.constant 96 : index
        %get3A_101 = tpu.vector_load %arg12[%get3A_99, %get3A_100] {strides = array<i32>} : memref<128x128xf32, #tpu.memory_space<vmem>>, vector<1x16xf32>,
        %get3A_102 = vector.shape_cast %get3A_101 : vector<1x16xf32> to vector<16xf32>
        %mul3A_103 = arith.mulf %get3A_102, %get3A_39 : vector<16xf32>
        %swap3A_104 = arith.index_cast %scan3A_35 : i32 to index
        %swap3A_105 = arith.constant 96 : index
        %swap3A_106 = tpu.vector_load %arg12[%swap3A_104, %swap3A_105] {strides = array<i32>} : memref<128x128xf32, #tpu.memory_space<vmem>>, vector<1x16xf32>,
        %swap3A_107 = vector.shape_cast %swap3A_106 : vector<1x16xf32> to vector<16xf32>
        %swap3A_108 = vector.shape_cast %mul3A_103 : vector<16xf32> to vector<1x16xf32>
        tpu.vector_store %arg12[%swap3A_104, %swap3A_105], %swap3A_108 {strides = array<i32>} : memref<128x128xf32, #tpu.memory_space<vmem>>, vector<1x16xf32>,
        %get3A_109 = arith.index_cast %scan3A_35 : i32 to index
        %get3A_110 = arith.constant 112 : index
        %get3A_111 = tpu.vector_load %arg12[%get3A_109, %get3A_110] {strides = array<i32>} : memref<128x128xf32, #tpu.memory_space<vmem>>, vector<1x16xf32>,
        %get3A_112 = vector.shape_cast %get3A_111 : vector<1x16xf32> to vector<16xf32>
        %mul3A_113 = arith.mulf %get3A_112, %get3A_39 : vector<16xf32>
        %swap3A_114 = arith.index_cast %scan3A_35 : i32 to index
        %swap3A_115 = arith.constant 112 : index
        %swap3A_116 = tpu.vector_load %arg12[%swap3A_114, %swap3A_115] {strides = array<i32>} : memref<128x128xf32, #tpu.memory_space<vmem>>, vector<1x16xf32>,
        %swap3A_117 = vector.shape_cast %swap3A_116 : vector<1x16xf32> to vector<16xf32>
        %swap3A_118 = vector.shape_cast %mul3A_113 : vector<16xf32> to vector<1x16xf32>
        tpu.vector_store %arg12[%swap3A_114, %swap3A_115], %swap3A_118 {strides = array<i32>} : memref<128x128xf32, #tpu.memory_space<vmem>>, vector<1x16xf32>,
      }
      %scan3A_34 = arith.constant 128 : i32
      "tpu.region"() ({
        %run_scoped3A = tpu.sem_alloc : memref<!tpu.dma_semaphore, #tpu.memory_space<semaphore_mem>>
        %dma_start3A_35 = arith.constant 0 : i32
        %dma_start3A_36 = tpu.memref_slice %arg9[%scan3A_9, %dma_start3A_35] : memref<79x128xi32, #tpu.memory_space<vmem>> -> memref<1x128xi32, #tpu.memory_space<vmem>>
        %dma_start3A_37 = tpu.memref_squeeze %dma_start3A_36 : memref<1x128xi32, #tpu.memory_space<vmem>> -> memref<128xi32, #tpu.memory_space<vmem>>
        %dma_start3A_38 = arith.constant 0 : i32
        %dma_start3A_39 = arith.constant 0 : i32
        %dma_start3A_40 = tpu.memref_slice %arg8[%dma_start3A_38, %dma_start3A_39] : memref<10240x128xf32, #tpu.memory_space<vmem_shared>> -> memref<10240x128xf32, #tpu.memory_space<vmem_shared>>
        tpu.enqueue_indirect_dma source(%arg12 : memref<128x128xf32, #tpu.memory_space<vmem>>) target(%dma_start3A_40 : memref<10240x128xf32, #tpu.memory_space<vmem_shared>>) offsets(%dma_start3A_37 : memref<128xi32, #tpu.memory_space<vmem>>) semaphore(%run_scoped3A : memref<!tpu.dma_semaphore, #tpu.memory_space<semaphore_mem>>) {add = true}
        %dma_wait3A_41 = arith.constant 0 : i32
        %dma_wait3A_42 = tpu.memref_slice %arg9[%scan3A_9, %dma_wait3A_41] : memref<79x128xi32, #tpu.memory_space<vmem>> -> memref<1x128xi32, #tpu.memory_space<vmem>>
        %dma_wait3A_43 = tpu.memref_squeeze %dma_wait3A_42 : memref<1x128xi32, #tpu.memory_space<vmem>> -> memref<128xi32, #tpu.memory_space<vmem>>
        %dma_wait3A_44 = arith.constant 0 : i32
        %dma_wait3A_45 = arith.constant 0 : i32
        %dma_wait3A_46 = tpu.memref_slice %arg8[%dma_wait3A_44, %dma_wait3A_45] : memref<10240x128xf32, #tpu.memory_space<vmem_shared>> -> memref<10240x128xf32, #tpu.memory_space<vmem_shared>>
        tpu.wait_indirect_dma semaphore(%run_scoped3A : memref<!tpu.dma_semaphore, #tpu.memory_space<semaphore_mem>>) src(%arg12 : memref<128x128xf32, #tpu.memory_space<vmem>>) dst(%dma_wait3A_46 : memref<10240x128xf32, #tpu.memory_space<vmem_shared>>)
        tpu.yield
      }) : () -> ()
    }
    %scan3A_7 = arith.constant 79 : i32
    %barrier3A_8 = arith.constant 0 : index
    tpu.barrier barrier_id(%barrier3A_8)
    "tpu.region"() ({
      %run_scoped3A = tpu.sem_alloc : memref<!tpu.dma_semaphore, #tpu.memory_space<semaphore_mem>>
      %dma_start3A = arith.constant 0 : i32
      %dma_start3A_9 = tpu.memref_slice %arg7[%arg0, %mul3A_2, %dma_start3A] : memref<2x10240x128xf32, #tpu.memory_space<hbm>> -> memref<1x640x128xf32, #tpu.memory_space<hbm>>
      %dma_start3A_10 = tpu.memref_squeeze %dma_start3A_9 : memref<1x640x128xf32, #tpu.memory_space<hbm>> -> memref<640x128xf32, #tpu.memory_space<hbm>>
      %dma_start3A_11 = arith.constant 0 : i32
      %dma_start3A_12 = tpu.memref_slice %arg8[%mul3A_2, %dma_start3A_11] : memref<10240x128xf32, #tpu.memory_space<vmem_shared>> -> memref<640x128xf32, #tpu.memory_space<vmem_shared>>
      tpu.enqueue_dma source(%dma_start3A_12 : memref<640x128xf32, #tpu.memory_space<vmem_shared>>) target(%dma_start3A_10 : memref<640x128xf32, #tpu.memory_space<hbm>>) target_semaphore(%run_scoped3A : memref<!tpu.dma_semaphore, #tpu.memory_space<semaphore_mem>>)
      %dma_wait3A = arith.constant 0 : i32
      %dma_wait3A_13 = tpu.memref_slice %arg7[%arg0, %mul3A_2, %dma_wait3A] : memref<2x10240x128xf32, #tpu.memory_space<hbm>> -> memref<1x640x128xf32, #tpu.memory_space<hbm>>
      %dma_wait3A_14 = tpu.memref_squeeze %dma_wait3A_13 : memref<1x640x128xf32, #tpu.memory_space<hbm>> -> memref<640x128xf32, #tpu.memory_space<hbm>>
      %dma_wait3A_15 = arith.constant 0 : i32
      %dma_wait3A_16 = tpu.memref_slice %arg8[%mul3A_2, %dma_wait3A_15] : memref<10240x128xf32, #tpu.memory_space<vmem_shared>> -> memref<640x128xf32, #tpu.memory_space<vmem_shared>>
      tpu.wait_dma2 semaphore(%run_scoped3A : memref<!tpu.dma_semaphore, #tpu.memory_space<semaphore_mem>>) src(%dma_wait3A_16 : memref<640x128xf32, #tpu.memory_space<vmem_shared>>) dst(%dma_wait3A_14 : memref<640x128xf32, #tpu.memory_space<hbm>>)
      tpu.yield
    }) : () -> ()
    return
  }
}

module attributes {stable_mosaic.version = 14 : i64} {
  func.func @body(%arg0: i32, %arg1: memref<2x2048x128xf32, #tpu.memory_space<vmem>>, %arg2: memref<2048x128xf32, #tpu.memory_space<vmem>>) attributes {dimension_semantics = [#tpu.dimension_semantics<arbitrary>], iteration_bounds = array<i64: 5>, scalar_prefetch = 0 : i64, scratch_operands = 0 : i64, tpu.core_type = #tpu.core_type<tc>, window_params = [{transform_indices = @transform_0, window_bounds = array<i64: 2, 2048, 128>}, {transform_indices = @transform_1, window_bounds = array<i64: 2048, 128>}]} {
    %get3A = arith.constant 0 : index
    %get3A_0 = arith.constant 0 : index
    %get3A_1 = arith.constant 0 : index
    %get3A_2 = vector.load %arg1[%get3A, %get3A_0, %get3A_1] : memref<2x2048x128xf32, #tpu.memory_space<vmem>>, vector<1x2048x128xf32>
    %get3A_3 = vector.shape_cast %get3A_2 : vector<1x2048x128xf32> to vector<2048x128xf32>
    %get3A_4 = arith.constant 1 : index
    %get3A_5 = arith.constant 0 : index
    %get3A_6 = arith.constant 0 : index
    %get3A_7 = vector.load %arg1[%get3A_4, %get3A_5, %get3A_6] : memref<2x2048x128xf32, #tpu.memory_space<vmem>>, vector<1x2048x128xf32>
    %get3A_8 = vector.shape_cast %get3A_7 : vector<1x2048x128xf32> to vector<2048x128xf32>
    %add3A = arith.addf %get3A_3, %get3A_8 : vector<2048x128xf32>
    %swap3A = arith.constant 0 : index
    %swap3A_9 = arith.constant 0 : index
    %swap3A_10 = vector.load %arg2[%swap3A, %swap3A_9] : memref<2048x128xf32, #tpu.memory_space<vmem>>, vector<2048x128xf32>
    tpu.vector_store %arg2[%swap3A, %swap3A_9], %add3A {strides = array<i32>} : memref<2048x128xf32, #tpu.memory_space<vmem>>, vector<2048x128xf32>,
    return
  }
  func.func @transform_0(%arg0: i32) -> (i32, i32, i32) {
    %c0_i32 = arith.constant 0 : i32
    %c0_i32_0 = arith.constant 0 : i32
    %c0_i32_1 = arith.constant 0 : i32
    return %c0_i32, %arg0, %c0_i32_0 : i32, i32, i32
  }
  func.func @transform_1(%arg0: i32) -> (i32, i32) {
    %c0_i32 = arith.constant 0 : i32
    %c0_i32_0 = arith.constant 0 : i32
    return %arg0, %c0_i32 : i32, i32
  }
}

module attributes {stable_mosaic.version = 14 : i64} {
  func.func @body(%arg0: i32, %arg1: memref<2000x128xf32, #tpu.memory_space<vmem>>, %arg2: memref<2000x128xf32, #tpu.memory_space<vmem>>, %arg3: memref<2x2000x128xf32, #tpu.memory_space<vmem>>, %arg4: memref<128x128xf32, #tpu.memory_space<vmem>>, %arg5: memref<128x128xf32, #tpu.memory_space<vmem>>, %arg6: memref<128x128xf32, #tpu.memory_space<vmem>>, %arg7: memref<1x128xf32, #tpu.memory_space<vmem>>, %arg8: memref<2000x128xf32, #tpu.memory_space<vmem>>) attributes {dimension_semantics = [#tpu.dimension_semantics<arbitrary>], iteration_bounds = array<i64: 5>, scalar_prefetch = 0 : i64, scratch_operands = 0 : i64, tpu.core_type = #tpu.core_type<tc>, window_params = [{transform_indices = @transform_0, window_bounds = array<i64: 2000, 128>}, {transform_indices = @transform_1, window_bounds = array<i64: 2000, 128>}, {transform_indices = @transform_2, window_bounds = array<i64: 2, 2000, 128>}, {pipeline_mode = #tpu.pipeline_mode<synchronous>, transform_indices = @transform_3, window_bounds = array<i64: 128, 128>}, {pipeline_mode = #tpu.pipeline_mode<synchronous>, transform_indices = @transform_4, window_bounds = array<i64: 128, 128>}, {pipeline_mode = #tpu.pipeline_mode<synchronous>, transform_indices = @transform_5, window_bounds = array<i64: 128, 128>}, {pipeline_mode = #tpu.pipeline_mode<synchronous>, transform_indices = @transform_6, window_bounds = array<i64: 1, 128>}, {transform_indices = @transform_7, window_bounds = array<i64: 2000, 128>}]} {
    %get3A = arith.constant 0 : index
    %get3A_0 = arith.constant 0 : index
    %get3A_1 = vector.load %arg1[%get3A, %get3A_0] : memref<2000x128xf32, #tpu.memory_space<vmem>>, vector<2000x128xf32>
    %get3A_2 = arith.constant 0 : index
    %get3A_3 = arith.constant 0 : index
    %get3A_4 = arith.constant 0 : index
    %get3A_5 = vector.load %arg3[%get3A_2, %get3A_3, %get3A_4] : memref<2x2000x128xf32, #tpu.memory_space<vmem>>, vector<1x2000x128xf32>
    %get3A_6 = vector.shape_cast %get3A_5 : vector<1x2000x128xf32> to vector<2000x128xf32>
    %get3A_7 = arith.constant 1 : index
    %get3A_8 = arith.constant 0 : index
    %get3A_9 = arith.constant 0 : index
    %get3A_10 = vector.load %arg3[%get3A_7, %get3A_8, %get3A_9] : memref<2x2000x128xf32, #tpu.memory_space<vmem>>, vector<1x2000x128xf32>
    %get3A_11 = vector.shape_cast %get3A_10 : vector<1x2000x128xf32> to vector<2000x128xf32>
    %add3A = arith.addf %get3A_6, %get3A_11 : vector<2000x128xf32>
    %mul3A = arith.constant 2.000000e+00 : f32
    %mul3A_12 = vector.broadcast %mul3A : f32 to vector<2000x128xf32>
    %mul3A_13 = arith.mulf %mul3A_12, %add3A : vector<2000x128xf32>
    %sub3A = arith.subf %mul3A_13, %get3A_1 : vector<2000x128xf32>
    %get3A_14 = arith.constant 0 : index
    %get3A_15 = arith.constant 0 : index
    %get3A_16 = vector.load %arg4[%get3A_14, %get3A_15] : memref<128x128xf32, #tpu.memory_space<vmem>>, vector<128x128xf32>
    %dot_general3A = arith.constant dense<0.000000e+00> : vector<2000x128xf32>
    %dot_general3A_17 = tpu.matmul %get3A_1, %get3A_16, %dot_general3A {dimension_numbers = #tpu.dot_dimension_numbers<[1], [0], [0], [1], [0, 0, 1, 1], [], []>, transpose_lhs_hint = false} : vector<2000x128xf32>, vector<128x128xf32>, vector<2000x128xf32> -> vector<2000x128xf32>
    %get3A_18 = arith.constant 0 : index
    %get3A_19 = arith.constant 0 : index
    %get3A_20 = vector.load %arg2[%get3A_18, %get3A_19] : memref<2000x128xf32, #tpu.memory_space<vmem>>, vector<2000x128xf32>
    %get3A_21 = arith.constant 0 : index
    %get3A_22 = arith.constant 0 : index
    %get3A_23 = vector.load %arg5[%get3A_21, %get3A_22] : memref<128x128xf32, #tpu.memory_space<vmem>>, vector<128x128xf32>
    %dot_general3A_24 = arith.constant dense<0.000000e+00> : vector<2000x128xf32>
    %dot_general3A_25 = tpu.matmul %get3A_20, %get3A_23, %dot_general3A_24 {dimension_numbers = #tpu.dot_dimension_numbers<[1], [0], [0], [1], [0, 0, 1, 1], [], []>, transpose_lhs_hint = false} : vector<2000x128xf32>, vector<128x128xf32>, vector<2000x128xf32> -> vector<2000x128xf32>
    %add3A_26 = arith.addf %dot_general3A_17, %dot_general3A_25 : vector<2000x128xf32>
    %get3A_27 = arith.constant 0 : index
    %get3A_28 = arith.constant 0 : index
    %get3A_29 = vector.load %arg6[%get3A_27, %get3A_28] : memref<128x128xf32, #tpu.memory_space<vmem>>, vector<128x128xf32>
    %dot_general3A_30 = arith.constant dense<0.000000e+00> : vector<2000x128xf32>
    %dot_general3A_31 = tpu.matmul %sub3A, %get3A_29, %dot_general3A_30 {dimension_numbers = #tpu.dot_dimension_numbers<[1], [0], [0], [1], [0, 0, 1, 1], [], []>, transpose_lhs_hint = false} : vector<2000x128xf32>, vector<128x128xf32>, vector<2000x128xf32> -> vector<2000x128xf32>
    %add3A_32 = arith.addf %add3A_26, %dot_general3A_31 : vector<2000x128xf32>
    %get3A_33 = arith.constant 0 : index
    %get3A_34 = arith.constant 0 : index
    %get3A_35 = vector.load %arg7[%get3A_33, %get3A_34] : memref<1x128xf32, #tpu.memory_space<vmem>>, vector<1x128xf32>
    %add3A_36 = vector.broadcast %get3A_35 : vector<1x128xf32> to vector<2000x128xf32>
    %add3A_37 = arith.addf %add3A_32, %add3A_36 : vector<2000x128xf32>
    %gt3A = arith.constant 0.000000e+00 : f32
    %gt3A_38 = vector.broadcast %gt3A : f32 to vector<2000x128xf32>
    %gt3A_39 = arith.cmpf ogt, %add3A_37, %gt3A_38 : vector<2000x128xf32>
    %min3A = arith.constant 0.000000e+00 : f32
    %min3A_40 = vector.broadcast %min3A : f32 to vector<2000x128xf32>
    %min3A_41 = arith.minimumf %add3A_37, %min3A_40 : vector<2000x128xf32>
    %exp3A = math.exp %min3A_41 : vector<2000x128xf32>
    %sub3A_42 = arith.constant 1.000000e+00 : f32
    %sub3A_43 = vector.broadcast %sub3A_42 : f32 to vector<2000x128xf32>
    %sub3A_44 = arith.subf %exp3A, %sub3A_43 : vector<2000x128xf32>
    %select_n3A = arith.select %gt3A_39, %add3A_37, %sub3A_44 : vector<2000x128xi1>, vector<2000x128xf32>
    %swap3A = arith.constant 0 : index
    %swap3A_45 = arith.constant 0 : index
    %swap3A_46 = vector.load %arg8[%swap3A, %swap3A_45] : memref<2000x128xf32, #tpu.memory_space<vmem>>, vector<2000x128xf32>
    tpu.vector_store %arg8[%swap3A, %swap3A_45], %select_n3A {strides = array<i32>} : memref<2000x128xf32, #tpu.memory_space<vmem>>, vector<2000x128xf32>,
    return
  }
  func.func @transform_0(%arg0: i32) -> (i32, i32) {
    %c0_i32 = arith.constant 0 : i32
    %c0_i32_0 = arith.constant 0 : i32
    return %arg0, %c0_i32 : i32, i32
  }
  func.func @transform_1(%arg0: i32) -> (i32, i32) {
    %c0_i32 = arith.constant 0 : i32
    %c0_i32_0 = arith.constant 0 : i32
    return %arg0, %c0_i32 : i32, i32
  }
  func.func @transform_2(%arg0: i32) -> (i32, i32, i32) {
    %c0_i32 = arith.constant 0 : i32
    %c0_i32_0 = arith.constant 0 : i32
    %c0_i32_1 = arith.constant 0 : i32
    return %c0_i32, %arg0, %c0_i32_0 : i32, i32, i32
  }
  func.func @transform_3(%arg0: i32) -> (i32, i32) {
    %c0_i32 = arith.constant 0 : i32
    %c0_i32_0 = arith.constant 0 : i32
    %c0_i32_1 = arith.constant 0 : i32
    return %c0_i32, %c0_i32_0 : i32, i32
  }
  func.func @transform_4(%arg0: i32) -> (i32, i32) {
    %c0_i32 = arith.constant 0 : i32
    %c0_i32_0 = arith.constant 0 : i32
    %c0_i32_1 = arith.constant 0 : i32
    return %c0_i32, %c0_i32_0 : i32, i32
  }
  func.func @transform_5(%arg0: i32) -> (i32, i32) {
    %c0_i32 = arith.constant 0 : i32
    %c0_i32_0 = arith.constant 0 : i32
    %c0_i32_1 = arith.constant 0 : i32
    return %c0_i32, %c0_i32_0 : i32, i32
  }
  func.func @transform_6(%arg0: i32) -> (i32, i32) {
    %c0_i32 = arith.constant 0 : i32
    %c0_i32_0 = arith.constant 0 : i32
    %c0_i32_1 = arith.constant 0 : i32
    return %c0_i32, %c0_i32_0 : i32, i32
  }
  func.func @transform_7(%arg0: i32) -> (i32, i32) {
    %c0_i32 = arith.constant 0 : i32
    %c0_i32_0 = arith.constant 0 : i32
    return %arg0, %c0_i32 : i32, i32
  }
}

</mosaic_0001>

<sc_bundles>
// kernel: kernel.6.cloned.1.call-start
scs
__scs_entry_jumppad:
0x0: {  	(pc) =	sbr.rel $0x88, $3  }
0x1: {  	(tag) =	ssettag $0x0;
	lr =	simm.s32 $0x1  }
0x2: {  	[smem:$0x3F9C] =	sst lr;
	_ =	strace $0xD0000000  }
0x3: {  	_ = 	snop  }
0x4: {  	_ = 	snop  }
0x5: {  	_ = 	snop  }
0x6: {  	_ = 	snop  }
0x7: {  	_ = 	snop  }
__scs_overlays_trampoline_lowered:
0x8: {  	[smem:$0x3FAB] =	sst s0  }
0x9: {  	[smem:$0x3FAC] =	sst s1  }
0xa: {  	[smem:$0x3FAD] =	sst s2  }
0xb: {  	[smem:$0x3FAE] =	sst s3  }
0xc: {  	[smem:$0x3FAF] =	sst s4  }
0xd: {  	[smem:$0x3FB0] =	sst s5  }
0xe: {  	[smem:$0x3FB1] =	sst s6  }
0xf: {  	[smem:$0x3FB2] =	sst s7  }
0x10: {  	[smem:$0x3FB3] =	sst s8  }
0x11: {  	[smem:$0x3FB4] =	sst s9;
	s0 =	simm.s32 @!p0 $0x0  }
0x12: {  	s1 =	sld [smem:$0x3F9A];
	s0 =	simm.s32 @p0 $0x1  }
0x13: {  	[smem:$0x3FB5] =	sst s0;
	s0 =	simm.s32 @!p1 $0x0  }
0x14: {  	s2 =	sld [smem:$0x3F99];
	s0 =	simm.s32 @p1 $0x1  }
0x15: {  	[smem:$0x3FB6] =	sst s0;
	s0 =	simm.s32 @!p2 $0x0  }
0x16: {  	s3 =	sld [smem:$0x3FDB];
	s0 =	simm.s32 @p2 $0x1  }
0x17: {  	s4 =	simm.s32 $0x1BF5;
	[smem:$0x3FB8] =	sst s0  }
0x18: {  	s0 =	sld [smem:$0x3F9B];
	_ =	swait.ge [sflag:s4], $0x0  }
0x19: {  	s7 =	sld [smem:$0x3F9C]  }
0x1a: {  	s8 =	sadd.s32 $0xFFFFE003, lr  }
0x1b: {  	s9 =	sadd.s32 $0xFFFFFEF7, lr;
	s5 =	simm.s32 $0xFFFFFFFF;
	p2 =	slt.u32 s8, $0xFFFFF086  }
0x1c: {  	p1 =	slt.u32 s9, $0xF7A;
	s5 =	simm.s32 @!p2 $0x0  }
0x1d: {  	s5 =	simm.s32 @p1 $0x1;
	p0 =	seq.s32 s7, s2  }
0x1e: {  	s7 =	smul.u32 @!p0 $0xF7A, s2;
	p2 =	seq.s32 @!p0 s5, $0x0  }
0x1f: {  	s9 =	smul.u32 $0xF7A, s1;
	s8 =	simm.s32 @!p0 $0x1BF5;
	p2 =	por !p2, p0  }
0x20: {  	[sflag:s8] =	ssyncset.s32 @!p0 $0xFFFFF086;
	s6 =	sadd.s32 @!p0 s3, s7;
	s7 =	simm.s32 @!p0 $0x108  }
0x21: {  	s3 =	sadd.s32 s3, s9;
	s6 =	sadd.s32 @!p0 $0x88, s6;
	s7 =	simm.s32 @p2 $0x1082  }
0x22: {  	[simem:s7], [sflag:s8] =	dma.local @!p0 [hbm:s6], $0xF7A  }
0x23: {  	s9 =	sor.u32 $0xD0000000, s2;
	s6 =	simm.s32 $0x108;
	_ =	swait.ge @!p0 [sflag:s8], $0x0  }
0x24: {  	s3 =	sadd.s32 $0x88, s3;
	s6 =	simm.s32 @!p1 $0x1082;
	[sflag:s4] =	ssyncset.s32 $0xFFFFF086  }
0x25: {  	[simem:s6], [sflag:s4] =	dma.local [hbm:s3], $0xF7A  }
0x26: {  	[smem:$0x3F9C] =	sst s1;
	(tag) =	ssettag s2;
	_ =	strace s9  }
0x27: {  	s1 =	sld [smem:$0x3FAC]  }
0x28: {  	s2 =	sld [smem:$0x3FAD]  }
0x29: {  	s4 =	sld [smem:$0x3FAF]  }
0x2a: {  	p0 =	seq.s32 s5, $0x0;
	s5 =	sld [smem:$0x3FB0]  }
0x2b: {  	s6 =	sld [smem:$0x3FB1]  }
0x2c: {  	s7 =	sld [smem:$0x3FB2]  }
0x2d: {  	s3 =	simm.s32 $0x108;
	s8 =	sld [smem:$0x3FB3]  }
0x2e: {  	s3 =	simm.s32 @!p0 $0x1082;
	s9 =	sld [smem:$0x3FB4]  }
0x2f: {  	lr =	sadd.s32 s0, s3;
	s0 =	sld [smem:$0x3FAB]  }
0x30: {  	s3 =	sld [smem:$0x3FAE]  }
0x31: {  	[smem:$0x3FB7] =	sst s10  }
0x32: {  	s10 =	sld [smem:$0x3FB5];
	_ =	sdelay $0x3  }
0x33: {  	p0 =	seq.s32 s10, $0x1;
	s10 =	sld [smem:$0x3FB7];
	_ =	sdelay $0x3  }
0x34: {  	[smem:$0x3FB7] =	sst s10  }
0x35: {  	s10 =	sld [smem:$0x3FB6];
	_ =	sdelay $0x3  }
0x36: {  	p1 =	seq.s32 s10, $0x1;
	s10 =	sld [smem:$0x3FB7];
	_ =	sdelay $0x3  }
0x37: {  	[smem:$0x3FB7] =	sst s10  }
0x38: {  	s10 =	sld [smem:$0x3FB8]  }
0x39: {  	_ = 	snop;
	(pc) =	sbr.ind lr, $3  }
0x3a: {  	_ = 	snop  }
0x3b: {  	_ = 	snop  }
0x3c: {  	p2 =	seq.s32 s10, $0x1;
	s10 =	sld [smem:$0x3FB7]  }
0x3d: {  	_ =	shalt  }
0x3e: {  	_ =	shalt  }
0x3f: {  	_ =	shalt  }
0x40: {  	_ =	shalt  }
0x41: {  	_ =	shalt  }
0x42: {  	_ =	shalt  }
0x43: {  	_ =	shalt  }
0x44: {  	_ =	shalt  }
0x45: {  	_ =	shalt  }
0x46: {  	_ =	shalt  }
0x47: {  	_ =	shalt  }
0x48: {  	_ =	shalt  }
0x49: {  	_ =	shalt  }
0x4a: {  	_ =	shalt  }
0x4b: {  	_ =	shalt  }
0x4c: {  	_ =	shalt  }
0x4d: {  	_ =	shalt  }
0x4e: {  	_ =	shalt  }
0x4f: {  	_ =	shalt  }
0x50: {  	_ =	shalt  }
0x51: {  	_ =	shalt  }
0x52: {  	_ =	shalt  }
0x53: {  	_ =	shalt  }
0x54: {  	_ =	shalt  }
0x55: {  	_ =	shalt  }
0x56: {  	_ =	shalt  }
0x57: {  	_ =	shalt  }
0x58: {  	_ =	shalt  }
0x59: {  	_ =	shalt  }
0x5a: {  	_ =	shalt  }
0x5b: {  	_ =	shalt  }
0x5c: {  	_ =	shalt  }
0x5d: {  	_ =	shalt  }
0x5e: {  	_ =	shalt  }
0x5f: {  	_ =	shalt  }
0x60: {  	_ =	shalt  }
0x61: {  	_ =	shalt  }
0x62: {  	_ =	shalt  }
0x63: {  	_ =	shalt  }
0x64: {  	_ =	shalt  }
0x65: {  	_ =	shalt  }
0x66: {  	_ =	shalt  }
0x67: {  	_ =	shalt  }
0x68: {  	_ =	shalt  }
0x69: {  	_ =	shalt  }
0x6a: {  	_ =	shalt  }
0x6b: {  	_ =	shalt  }
0x6c: {  	_ =	shalt  }
0x6d: {  	_ =	shalt  }
0x6e: {  	_ =	shalt  }
0x6f: {  	_ =	shalt  }
0x70: {  	_ =	shalt  }
0x71: {  	_ =	shalt  }
0x72: {  	_ =	shalt  }
0x73: {  	_ =	shalt  }
0x74: {  	_ =	shalt  }
0x75: {  	_ =	shalt  }
0x76: {  	_ =	shalt  }
0x77: {  	_ =	shalt  }
0x78: {  	_ =	shalt  }
0x79: {  	_ =	shalt  }
0x7a: {  	_ =	shalt  }
0x7b: {  	_ =	shalt  }
0x7c: {  	_ =	shalt  }
0x7d: {  	_ =	shalt  }
0x7e: {  	_ =	shalt  }
0x7f: {  	_ =	shalt  }
0x80: {  	_ =	shalt  }
0x81: {  	_ =	shalt  }
0x82: {  	_ =	shalt  }
0x83: {  	_ =	shalt  }
0x84: {  	_ =	shalt  }
0x85: {  	_ =	shalt  }
0x86: {  	_ =	shalt  }
0x87: {  	_ =	shalt  }
.Lfunc_end0:
.L_simem_size_0:
called_computation_lowered:
.L_overlay_start_0:
0x88: {  	s2 =	sld [smem:$0x3FD9]  }
0x89: {  	s3 =	sld [smem:$0x3FFE];
	_ =	sdelay $0x1  }
0x8a: {  	s1 =	srdreg.scid  }
0x8b: {  	s0 =	sand.u32 $0x1, s1  }
0x8c: {  	s17 =	sshll.u32 s0, $0xA;
	s2 =	sadd.s32 s3, s2  }
0x8d: {  	s2 =	sadd.s32 s2, s17  }
0x8e: {  	[smem:$0x3FC3] =	sst s2  }
0x8f: {  	_ = 	snop  }
0x90: {  	s2 =	sld [smem:$0x3FD0];
	(tm) =	ssettm $0x1  }
0x91: {  	s18 =	sld [smem:$0x3FFB];
	_ =	sdelay $0x3  }
0x92: {  	_ =	strace s18  }
0x93: {  	s3 =	sld [smem:$0x3FFC];
	_ =	sdelay $0x3  }
0x94: {  	_ =	strace s3  }
0x95: {  	s3 =	sld [smem:$0x3FFD];
	_ =	sdelay $0x3  }
0x96: {  	_ =	strace s3  }
0x97: {  	_ =	strace $0x8FFFFFFF  }
0x98: {  	s19 =	sld [smem:$0x3FDB];
	_ =	sdelay $0x1  }
0x99: {  	s4 =	simm.s32 $_scs_section_size  }
0x9a: {  	s5 =	simm.s32 $_size__tile_overlayer_lowered;
	s6 =	simm.s32 $_tile_overlayer_lowered  }
0x9b: {  	s22 =	simm.s32 $0x1BFF;
	s21 =	sshll.u32 s6, $0x1;
	s3 =	sadd.s32 s4, s19  }
0x9c: {  	s7 =	simm.s32 $0x0;
	s20 =	sshll.u32 s5, $0x1;
	s5 =	sadd.s32 s21, s3  }
0x9d: {  	[timem:s7], [sflag:s22] =	dma.local [hbm:s5], s20  }
0x9e: {  	_ =	swait.ge [sflag:s22], s20  }
0x9f: {  	s4 =	ssub.s32 $0x0, s20;
	[sflag:s22] =	ssyncset.done $0x0  }
0xa0: {  	[sflag:s22] =	ssyncadd.s32 s4;
	_ =	sdelay $0x1  }
0xa1: {  	s23 =	simm.s32 $0x1B8B  }
0xa2: {  	_ =	swait.ge [sflag:s23], $0x1  }
0xa3: {  	[sflag:s23] =	ssyncset.done $0x0  }
0xa4: {  	s25 =	simm.s32 $0x1B8E;
	s24 =	sld [smem:$0x3FFE];
	[sflag:s23] =	ssyncadd.s32 $0xFFFFFFFF  }
0xa5: {  	s26 =	simm.s32 $execute0_lowered;
	[smem:$0x3FD2] =	sst s25  }
0xa6: {  	s5 =	sshll.u32 s26, $0x1;
	_ =	strace $0x80000046;
	[dreg:$0x1] =	wrdreg $0xFFFFFFFF  }
0xa7: {  	s28 =	simm.s32 $_size_execute0_lowered;
	s3 =	sadd.s32 s3, s5;
	[dreg:$0x0] =	wrdreg $0x0  }
0xa8: {  	s5 =	sshll.u32 s28, $0x1;
	[dreg:$0x2] =	wrdreg s3  }
0xa9: {  	[dreg:$0x3] =	wrdreg s5  }
0xaa: {  	[dreg:$0x4] =	wrdreg $0xC0  }
0xab: {  	_ =	task [dreg:s7], $0x5FFFF  }
0xac: {  	[dreg:$0x1] =	wrdreg $0xFFFFFFFF  }
0xad: {  	[dreg:$0x0] =	wrdreg $0x60  }
0xae: {  	[dreg:$0x2] =	wrdreg s24  }
0xaf: {  	[dreg:$0x3] =	wrdreg s2  }
0xb0: {  	[dreg:$0x4] =	wrdreg $0x0  }
0xb1: {  	[dreg:$0x5] =	wrdreg $0x9  }
0xb2: {  	_ =	task.clear_ibuf [dreg:s7], $0x6FFFF;
	_ =	strace $0x90000046  }
0xb3: {  	s29 =	simm.s32 $0x9;
	_ =	strace $0x80000048  }
0xb4: {  	_ =	swait.ge [sflag:s29], $0x1  }
0xb5: {  	[sflag:s29] =	ssyncadd.s32 $0xFFFFFFFF  }
0xb6: {  	_ =	strace $0x90000048  }
0xb7: {  	_ =	sfence  }
0xb8: {  	s30 =	sld [smem:$0x0];
	_ =	sdelay $0x2  }
0xb9: {  	s31 =	sshll.u32 s1, $0xD;
	s1 =	sshrl.u32 s1, $0x2  }
0xba: {  	s3 =	sand.u32 $0x4000, s31;
	s1 =	sadd.s32 s1, s30  }
0xbb: {  	s0 =	sor.u32 s3, s0;
	s1 =	sshll.u32 s1, $0x11  }
0xbc: {  	s0 =	sor.u32 s1, s0  }
0xbd: {  	s0 =	sadd.s32 $0x8F2B, s0  }
0xbe: {  	[sflag:s0] =	ssyncadd.remote.s32 $0x1  }
0xbf: {  	_ =	sfence.sel $0xFFFF  }
0xc0: {  	[dreg:$0x0] =	wrdreg $0xFFFFFFFF;
	(pc) =	sbr.abs _section_cstart, $3  }
0xc1: {  	[dreg:$0x1] =	wrdreg $0xFFFFFFFF  }
0xc2: {  	_ =	task.clear_ibuf [dreg:s7], $0x2FFFF;
	_ =	strace $0x9FFFFFFF  }
0xc3: {  	(tm) =	ssettm $0x7FFFFFFF  }
tec
execute0_lowered:
.L_overlay_start_1:
0x0: {  	(tag) =	ssettag $0x1  }
0x1: {  	s6 =	rddreg [dreg:$0x0]  }
0x2: {  	s1 =	srdreg.scid;
	s8 =	rddreg [dreg:$0x1]  }
0x3: {  	s0 =	stileid.u32;
	s2 =	rddreg [dreg:$0x2]  }
0x4: {  	s3 =	simm.s32 $0x0;
	s17 =	simm.s32 $0x80;
	s18 =	simm.s32 $0x19800  }
0x5: {  	s19 =	simm.s32 $0x19000;
	s20 =	simm.s32 $0x2;
	s21 =	simm.s32 $0x1  }
0x6: {  	s22 =	simm.s32 $0x0;
	s7 =	sand.u32 $0x1, s1;
	s1 =	rddreg [dreg:$0x3]  }
0x7: {  	s26 =	sshll.u32 s0, $0x1;
	s11 =	smul.u32 $0x14000, s0;
	[smem:$0x7FF] =	sst s3  }
0x8: {  	s4 =	sadd.s32 $0xB600, s6;
	s5 =	sadd.s32 $0x4FB600, s6;
	s28 =	smul.u32 $0x50000, s0  }
0x9: {  	s31 =	sshll.u32 s0, $0x6;
	s10 =	sor.u32 s7, s26;
	s12 =	smul.u32 $0x140000, s7  }
0xa: {  	_ =	strace $0x80000047;
	s7 =	ssub.s32 $0x2, s7;
	s9 =	smul.u32 $0x500, s10  }
0xb: {  	s14 =	sshrl.u32 s11, $0x3;
	s29 =	sshrl.u32 s7, $0x1;
	s30 =	sshrl.u32 s28, $0x2  }
0xc: {  	s10 =	smul.u32 $0x4F, s10;
	s11 =	sadd.s32 s11, s12;
	s14 =	sadd.s32 s14, s6  }
0xd: {  	s15 =	ssub.s32 s7, s29;
	s16 =	sadd.s32 s30, s2;
	s7 =	sor.u32 $0x1C03, s31  }
0xe: {  	s13 =	sadd.s32 s9, s6;
	s11 =	sshrl.u32 s11, $0x3;
	s8 =	sadd.s32 s8, s9  }
0xf: {  	s12 =	smax.u32 s15, $0x1;
	s15 =	simm.s32 $0x14000;
	s11 =	sadd.s32 s11, s6  }
0x10: {  	s6 =	sadd.s32 $0x33600, s14;
	s9 =	sadd.s32 $0x1600, s13;
	s13 =	sshrl.u32 s16, $0x3  }
0x11: {  	s14 =	simm.s32 $0x3;
	s16 =	simm.s32 $0x16800;
	s11 =	sadd.s32 $0x5B600, s11  }
.LBB2_1:
0x12: {  	[spmem:s13], [sflag:s7] =	dma.local [hbm:s6], $0x2800  }
0x13: {  	_ =	swait.ge [sflag:s14], $0x2800  }
0x14: {  	[sflag:s14] =	ssyncset.done $0x0  }
0x15: {  	[sflag:s14] =	ssyncadd.s32 $0xFFFFD800  }
0x16: {  	[tilespmem:s15], [sflag:$0x3] =	stream.linear.gather [hbm4b:s8+s3], $0x2780, $0x38;
	[tilespmem:$0x1D800] =	vst v63  }
0x17: {  	_ =	swait.ge [sflag:s14], $0x2780  }
0x18: {  	[sflag:s14] =	ssyncset.done $0x0  }
0x19: {  	[sflag:s14] =	ssyncadd.s32 $0xFFFFD880  }
0x1a: {  	[tilespmem:s16], [sflag:$0x3] =	stream.linear.gather [hbm4b:s9+s3], $0x2780, $0x38;
	[tilespmem:$0x1D800] =	vst v63  }
0x1b: {  	_ =	swait.ge [sflag:s14], $0x2780  }
0x1c: {  	[sflag:s14] =	ssyncset.done $0x0  }
0x1d: {  	[sflag:s14] =	ssyncadd.s32 $0xFFFFD880  }
0x1e: {  	s23 =	simm.s32 $0x0;
	[bflag:$0x0] =	sbarrier.arrive $0xFFFF  }
.LBB2_2:
0x1f: {  	s24 =	sshll.u32 s23, $0x7  }
0x20: {  	s30 =	sadd.s32 s10, s23;
	s25 =	sadd.s32 $0x16800, s24  }
0x21: {  	[tilespmem:s18], [sflag:$0x1] =	stream.indirect.gather [hbm4b:s4+s17], $0x80, s25, s17, $0xb8;
	[tilespmem:$0x1D800] =	vst v63  }
0x22: {  	s25 =	sshll.u32 s30, $0x8  }
0x23: {  	s26 =	simm.s32 $0x0;
	s25 =	sadd.s32 s5, s25  }
0x24: {  	[tilespmem:s19], [sflag:$0x2] =	stream.linear.gather [hbm4b:s25+s26], $0x800, $0x38;
	[tilespmem:$0x1D800] =	vst v63  }
0x25: {  	_ =	swait.ge [sflag:s20], $0x800  }
0x26: {  	[sflag:s20] =	ssyncset.done $0x0  }
0x27: {  	[sflag:s20] =	ssyncadd.s32 $0xFFFFF800  }
0x28: {  	_ =	swait.ge [sflag:s21], $0x4000  }
0x29: {  	[sflag:s21] =	ssyncset.done $0x0  }
0x2a: {  	s25 =	simm.s32 $0x19840;
	[sflag:s21] =	ssyncadd.s32 $0xFFFFC000  }
0x2b: {  	v4 =	vld [tilespmem:s25+$0x30]  }
0x2c: {  	v7 =	vld [tilespmem:s25+$0x10]  }
0x2d: {  	s31 =	simm.s32 $0x0;
	v5 =	vld [tilespmem:s25+$0xFFFFFFC0]  }
0x2e: {  	v1 =	vld [tilespmem:s31+$0x19000]  }
0x2f: {  	v9 =	vld [tilespmem:s25+$0xFFFFFFE0]  }
0x30: {  	v0 =	vld [tilespmem:s25+$0xFFFFFFF0]  }
0x31: {  	v2 =	vld [tilespmem:s25+$0x20]  }
0x32: {  	v3 =	vld [tilespmem:s25+$0xFFFFFFD0]  }
0x33: {  	v8 =	vmul.f32 v4, v1;
	v4 =	vld [tilespmem:s25+$0x0]  }
0x34: {  	v6 =	vmul.f32 v5, v1  }
0x35: {  	s28 =	simm.s32 $0x19840;
	s26 =	simm.s32 $0x40;
	v5 =	vmul.f32 v9, v1;
	v7 =	vmul.f32 v7, v1  }
.LBB2_3:
0x36: {  	p0 =	sne.s32 s26, $0x1FC0  }
0x37: {  	v3 =	vmul.f32 v3, v1;
	v2 =	vmul.f32 v2, v1;
	[tilespmem:s25+$0x30] =	vst v8;
	s28 =	sadd.s32 $0x80, s28;
	s29 =	smov.u32 s26;
	s26 =	sadd.s32 $0x40, s26  }
0x38: {  	[tilespmem:s25+$0xFFFFFFC0] =	vst v6;
	v6 =	vmul.f32 v0, v1;
	v1 =	vmul.f32 v4, v1  }
0x39: {  	[tilespmem:s25+$0x10] =	vst v7  }
0x3a: {  	v0 =	vld [tilespmem:s28+$0xFFFFFFF0];
	[tilespmem:s25+$0xFFFFFFE0] =	vst v5  }
0x3b: {  	v5 =	vld [tilespmem:s28+$0x30];
	[tilespmem:s25+$0xFFFFFFF0] =	vst v6  }
0x3c: {  	v7 =	vld [tilespmem:s28+$0x10];
	[tilespmem:s25+$0x0] =	vst v1  }
0x3d: {  	v6 =	vld [tilespmem:s28+$0xFFFFFFC0];
	[tilespmem:s25+$0x20] =	vst v2  }
0x3e: {  	s29 =	sshra.s32 s29, $0x2;
	v9 =	vld [tilespmem:s28+$0xFFFFFFE0];
	[tilespmem:s25+$0xFFFFFFD0] =	vst v3;
	s25 =	smov.u32 s28  }
0x3f: {  	v1 =	vld [tilespmem:s29+$0x19000]  }
0x40: {  	v2 =	vld [tilespmem:s28+$0x20]  }
.Ltmp0:
0x41: {  	v3 =	vld [tilespmem:s28+$0xFFFFFFD0];
	(pc) =	sbr.rel @p0 .LBB2_3-.Ltmp0, $3  }
0x42: {  	v4 =	vld [tilespmem:s28+$0x0];
	_ =	sdelay $0x1  }
0x43: {  	v6 =	vmul.f32 v6, v1;
	v8 =	vmul.f32 v5, v1  }
0x44: {  	v5 =	vmul.f32 v9, v1;
	v7 =	vmul.f32 v7, v1  }
0x45: {  	[tilespmem:s25+$0x30] =	vst v8  }
0x46: {  	[tilespmem:s25+$0xFFFFFFC0] =	vst v6  }
0x47: {  	v0 =	vmul.f32 v0, v1;
	[tilespmem:s25+$0x10] =	vst v7  }
0x48: {  	v2 =	vmul.f32 v2, v1;
	[tilespmem:s25+$0xFFFFFFE0] =	vst v5  }
0x49: {  	v63 =	vmul.f32 v3, v1;
	[tilespmem:s25+$0xFFFFFFF0] =	vst v0  }
0x4a: {  	s23 =	sadd.s32 $0x1, s23;
	v4 =	vmul.f32 v4, v1;
	[tilespmem:s25+$0x20] =	vst v2  }
0x4b: {  	p0 =	sne.s32 s23, $0x4F;
	[tilespmem:s25+$0xFFFFFFD0] =	vst v63  }
.Ltmp1:
0x4c: {  	s24 =	sadd.s32 $0x14000, s24;
	[tilespmem:s25+$0x0] =	vst v4;
	(pc) =	sbr.rel @p0 .LBB2_2-.Ltmp1, $4  }
0x4d: {  	[spmem:s2] =	stream.indirect.scatter.add.f32 [tilespmem:s18], [sflag:$0x3], $0x80, s24, s17, $0xb8;
	[tilespmem:$0x1D800] =	vst v63  }
0x4e: {  	_ =	swait.ge [sflag:s14], $0x4000  }
0x4f: {  	[sflag:s14] =	ssyncset.done $0x0  }
0x50: {  	[sflag:s14] =	ssyncadd.s32 $0xFFFFC000  }
0x51: {  	s22 =	sadd.s32 $0x1, s22  }
0x52: {  	p0 =	sne.s32 s22, s12  }
.Ltmp2:
0x53: {  	[bflag:$0x0] =	sbarrier.arrive $0xFFFF;
	(pc) =	sbr.rel @p0 .LBB2_1-.Ltmp2, $4  }
0x54: {  	[hbm:s11], [sflag:s7] =	dma.local [spmem:s13], $0x2800  }
0x55: {  	_ =	swait.ge [sflag:s14], $0x2800  }
0x56: {  	[sflag:s14] =	ssyncset.done $0x0  }
0x57: {  	[sflag:s14] =	ssyncadd.s32 $0xFFFFD800  }
0x58: {  	_ =	sfence.sel $0x180000  }
0x59: {  	[bflag:$0x0] =	sbarrier.arrive $0xFFFF  }
0x5a: {  	p0 =	sne.s32 s0, $0x0;
	_ =	strace $0x90000047  }
0x5b: {  	s0 =	sadd.s32 @!p0 $0x100000, s1;
	[bflag:$0x2] =	sbarrier.arrive $0xFFFF  }
0x5c: {  	[sflag:s0] =	ssyncadd.tile.s32 @!p0 $0x1;
	_ =	shalt  }
.Lfunc_end2:
_tile_overlayer_lowered:
.L_overlay_start_2:
0x5d: {  	(tag) =	ssettag $0x2  }
0x5e: {  	s0 =	rddreg [dreg:$0x0];
	s2 =	stileid.u32  }
0x5f: {  	s1 =	rddreg [dreg:$0x1];
	p0 =	sne.s32 s2, $0x0  }
0x60: {  	s3 =	rddreg [dreg:$0x2];
	[bflag:$0x3] =	sbarrier.arrive $0xFFFF;
	s2 =	simm.s32 @!p0 $0x1C03  }
0x61: {  	[timem:s3], [sflag:s2] =	dma.local @!p0 [hbm:s0], s1  }
0x62: {  	s0 =	simm.s32 @!p0 $0x3  }
0x63: {  	_ =	swait.ge @!p0 [sflag:s0], s1  }
0x64: {  	s1 =	ssub.s32 @!p0 $0x0, s1;
	[sflag:s0] =	ssyncset.done @!p0 $0x0  }
0x65: {  	[sflag:s0] =	ssyncadd.s32 @!p0 s1  }
0x66: {  	[bflag:$0x3] =	sbarrier.arrive $0xFFFF  }
0x67: {  	_ =	shalt  }

// kernel: kernel.9.cloned.1.call-start
scs
__scs_entry_jumppad:
0x0: {  	(pc) =	sbr.rel $0x88, $3  }
0x1: {  	(tag) =	ssettag $0x0;
	lr =	simm.s32 $0x1  }
0x2: {  	[smem:$0x3F9C] =	sst lr;
	_ =	strace $0xD0000000  }
0x3: {  	_ = 	snop  }
0x4: {  	_ = 	snop  }
0x5: {  	_ = 	snop  }
0x6: {  	_ = 	snop  }
0x7: {  	_ = 	snop  }
__scs_overlays_trampoline_lowered:
0x8: {  	[smem:$0x3FAB] =	sst s0  }
0x9: {  	[smem:$0x3FAC] =	sst s1  }
0xa: {  	[smem:$0x3FAD] =	sst s2  }
0xb: {  	[smem:$0x3FAE] =	sst s3  }
0xc: {  	[smem:$0x3FAF] =	sst s4  }
0xd: {  	[smem:$0x3FB0] =	sst s5  }
0xe: {  	[smem:$0x3FB1] =	sst s6  }
0xf: {  	[smem:$0x3FB2] =	sst s7  }
0x10: {  	[smem:$0x3FB3] =	sst s8  }
0x11: {  	[smem:$0x3FB4] =	sst s9;
	s0 =	simm.s32 @!p0 $0x0  }
0x12: {  	s1 =	sld [smem:$0x3F9A];
	s0 =	simm.s32 @p0 $0x1  }
0x13: {  	[smem:$0x3FB5] =	sst s0;
	s0 =	simm.s32 @!p1 $0x0  }
0x14: {  	s2 =	sld [smem:$0x3F99];
	s0 =	simm.s32 @p1 $0x1  }
0x15: {  	[smem:$0x3FB6] =	sst s0;
	s0 =	simm.s32 @!p2 $0x0  }
0x16: {  	s3 =	sld [smem:$0x3FDB];
	s0 =	simm.s32 @p2 $0x1  }
0x17: {  	s4 =	simm.s32 $0x1BF5;
	[smem:$0x3FB8] =	sst s0  }
0x18: {  	s0 =	sld [smem:$0x3F9B];
	_ =	swait.ge [sflag:s4], $0x0  }
0x19: {  	s7 =	sld [smem:$0x3F9C]  }
0x1a: {  	s8 =	sadd.s32 $0xFFFFE003, lr  }
0x1b: {  	s9 =	sadd.s32 $0xFFFFFEF7, lr;
	s5 =	simm.s32 $0xFFFFFFFF;
	p2 =	slt.u32 s8, $0xFFFFF086  }
0x1c: {  	p1 =	slt.u32 s9, $0xF7A;
	s5 =	simm.s32 @!p2 $0x0  }
0x1d: {  	s5 =	simm.s32 @p1 $0x1;
	p0 =	seq.s32 s7, s2  }
0x1e: {  	s7 =	smul.u32 @!p0 $0xF7A, s2;
	p2 =	seq.s32 @!p0 s5, $0x0  }
0x1f: {  	s9 =	smul.u32 $0xF7A, s1;
	s8 =	simm.s32 @!p0 $0x1BF5;
	p2 =	por !p2, p0  }
0x20: {  	[sflag:s8] =	ssyncset.s32 @!p0 $0xFFFFF086;
	s6 =	sadd.s32 @!p0 s3, s7;
	s7 =	simm.s32 @!p0 $0x108  }
0x21: {  	s3 =	sadd.s32 s3, s9;
	s6 =	sadd.s32 @!p0 $0x88, s6;
	s7 =	simm.s32 @p2 $0x1082  }
0x22: {  	[simem:s7], [sflag:s8] =	dma.local @!p0 [hbm:s6], $0xF7A  }
0x23: {  	s9 =	sor.u32 $0xD0000000, s2;
	s6 =	simm.s32 $0x108;
	_ =	swait.ge @!p0 [sflag:s8], $0x0  }
0x24: {  	s3 =	sadd.s32 $0x88, s3;
	s6 =	simm.s32 @!p1 $0x1082;
	[sflag:s4] =	ssyncset.s32 $0xFFFFF086  }
0x25: {  	[simem:s6], [sflag:s4] =	dma.local [hbm:s3], $0xF7A  }
0x26: {  	[smem:$0x3F9C] =	sst s1;
	(tag) =	ssettag s2;
	_ =	strace s9  }
0x27: {  	s1 =	sld [smem:$0x3FAC]  }
0x28: {  	s2 =	sld [smem:$0x3FAD]  }
0x29: {  	s4 =	sld [smem:$0x3FAF]  }
0x2a: {  	p0 =	seq.s32 s5, $0x0;
	s5 =	sld [smem:$0x3FB0]  }
0x2b: {  	s6 =	sld [smem:$0x3FB1]  }
0x2c: {  	s7 =	sld [smem:$0x3FB2]  }
0x2d: {  	s3 =	simm.s32 $0x108;
	s8 =	sld [smem:$0x3FB3]  }
0x2e: {  	s3 =	simm.s32 @!p0 $0x1082;
	s9 =	sld [smem:$0x3FB4]  }
0x2f: {  	lr =	sadd.s32 s0, s3;
	s0 =	sld [smem:$0x3FAB]  }
0x30: {  	s3 =	sld [smem:$0x3FAE]  }
0x31: {  	[smem:$0x3FB7] =	sst s10  }
0x32: {  	s10 =	sld [smem:$0x3FB5];
	_ =	sdelay $0x3  }
0x33: {  	p0 =	seq.s32 s10, $0x1;
	s10 =	sld [smem:$0x3FB7];
	_ =	sdelay $0x3  }
0x34: {  	[smem:$0x3FB7] =	sst s10  }
0x35: {  	s10 =	sld [smem:$0x3FB6];
	_ =	sdelay $0x3  }
0x36: {  	p1 =	seq.s32 s10, $0x1;
	s10 =	sld [smem:$0x3FB7];
	_ =	sdelay $0x3  }
0x37: {  	[smem:$0x3FB7] =	sst s10  }
0x38: {  	s10 =	sld [smem:$0x3FB8]  }
0x39: {  	_ = 	snop;
	(pc) =	sbr.ind lr, $3  }
0x3a: {  	_ = 	snop  }
0x3b: {  	_ = 	snop  }
0x3c: {  	p2 =	seq.s32 s10, $0x1;
	s10 =	sld [smem:$0x3FB7]  }
0x3d: {  	_ =	shalt  }
0x3e: {  	_ =	shalt  }
0x3f: {  	_ =	shalt  }
0x40: {  	_ =	shalt  }
0x41: {  	_ =	shalt  }
0x42: {  	_ =	shalt  }
0x43: {  	_ =	shalt  }
0x44: {  	_ =	shalt  }
0x45: {  	_ =	shalt  }
0x46: {  	_ =	shalt  }
0x47: {  	_ =	shalt  }
0x48: {  	_ =	shalt  }
0x49: {  	_ =	shalt  }
0x4a: {  	_ =	shalt  }
0x4b: {  	_ =	shalt  }
0x4c: {  	_ =	shalt  }
0x4d: {  	_ =	shalt  }
0x4e: {  	_ =	shalt  }
0x4f: {  	_ =	shalt  }
0x50: {  	_ =	shalt  }
0x51: {  	_ =	shalt  }
0x52: {  	_ =	shalt  }
0x53: {  	_ =	shalt  }
0x54: {  	_ =	shalt  }
0x55: {  	_ =	shalt  }
0x56: {  	_ =	shalt  }
0x57: {  	_ =	shalt  }
0x58: {  	_ =	shalt  }
0x59: {  	_ =	shalt  }
0x5a: {  	_ =	shalt  }
0x5b: {  	_ =	shalt  }
0x5c: {  	_ =	shalt  }
0x5d: {  	_ =	shalt  }
0x5e: {  	_ =	shalt  }
0x5f: {  	_ =	shalt  }
0x60: {  	_ =	shalt  }
0x61: {  	_ =	shalt  }
0x62: {  	_ =	shalt  }
0x63: {  	_ =	shalt  }
0x64: {  	_ =	shalt  }
0x65: {  	_ =	shalt  }
0x66: {  	_ =	shalt  }
0x67: {  	_ =	shalt  }
0x68: {  	_ =	shalt  }
0x69: {  	_ =	shalt  }
0x6a: {  	_ =	shalt  }
0x6b: {  	_ =	shalt  }
0x6c: {  	_ =	shalt  }
0x6d: {  	_ =	shalt  }
0x6e: {  	_ =	shalt  }
0x6f: {  	_ =	shalt  }
0x70: {  	_ =	shalt  }
0x71: {  	_ =	shalt  }
0x72: {  	_ =	shalt  }
0x73: {  	_ =	shalt  }
0x74: {  	_ =	shalt  }
0x75: {  	_ =	shalt  }
0x76: {  	_ =	shalt  }
0x77: {  	_ =	shalt  }
0x78: {  	_ =	shalt  }
0x79: {  	_ =	shalt  }
0x7a: {  	_ =	shalt  }
0x7b: {  	_ =	shalt  }
0x7c: {  	_ =	shalt  }
0x7d: {  	_ =	shalt  }
0x7e: {  	_ =	shalt  }
0x7f: {  	_ =	shalt  }
0x80: {  	_ =	shalt  }
0x81: {  	_ =	shalt  }
0x82: {  	_ =	shalt  }
0x83: {  	_ =	shalt  }
0x84: {  	_ =	shalt  }
0x85: {  	_ =	shalt  }
0x86: {  	_ =	shalt  }
0x87: {  	_ =	shalt  }
.Lfunc_end0:
.L_simem_size_0:
called_computation.1_lowered:
.L_overlay_start_0:
0x88: {  	s2 =	sld [smem:$0x3FD9]  }
0x89: {  	s3 =	sld [smem:$0x3FFE];
	_ =	sdelay $0x1  }
0x8a: {  	s1 =	srdreg.scid  }
0x8b: {  	s0 =	sand.u32 $0x1, s1  }
0x8c: {  	s17 =	sshll.u32 s0, $0xA;
	s2 =	sadd.s32 s3, s2  }
0x8d: {  	s2 =	sadd.s32 s2, s17  }
0x8e: {  	[smem:$0x3FC3] =	sst s2  }
0x8f: {  	_ = 	snop  }
0x90: {  	s2 =	sld [smem:$0x3FD0];
	(tm) =	ssettm $0x1  }
0x91: {  	s18 =	sld [smem:$0x3FFB];
	_ =	sdelay $0x3  }
0x92: {  	_ =	strace s18  }
0x93: {  	s3 =	sld [smem:$0x3FFC];
	_ =	sdelay $0x3  }
0x94: {  	_ =	strace s3  }
0x95: {  	s3 =	sld [smem:$0x3FFD];
	_ =	sdelay $0x3  }
0x96: {  	_ =	strace s3  }
0x97: {  	_ =	strace $0x8FFFFFFF  }
0x98: {  	s19 =	sld [smem:$0x3FDB];
	_ =	sdelay $0x1  }
0x99: {  	s4 =	simm.s32 $_scs_section_size  }
0x9a: {  	s5 =	simm.s32 $_size__tile_overlayer_lowered;
	s6 =	simm.s32 $_tile_overlayer_lowered  }
0x9b: {  	s22 =	simm.s32 $0x1BFF;
	s21 =	sshll.u32 s6, $0x1;
	s3 =	sadd.s32 s4, s19  }
0x9c: {  	s7 =	simm.s32 $0x0;
	s20 =	sshll.u32 s5, $0x1;
	s5 =	sadd.s32 s21, s3  }
0x9d: {  	[timem:s7], [sflag:s22] =	dma.local [hbm:s5], s20  }
0x9e: {  	_ =	swait.ge [sflag:s22], s20  }
0x9f: {  	s4 =	ssub.s32 $0x0, s20;
	[sflag:s22] =	ssyncset.done $0x0  }
0xa0: {  	[sflag:s22] =	ssyncadd.s32 s4;
	_ =	sdelay $0x1  }
0xa1: {  	s23 =	simm.s32 $0x1B8B  }
0xa2: {  	_ =	swait.ge [sflag:s23], $0x1  }
0xa3: {  	[sflag:s23] =	ssyncset.done $0x0  }
0xa4: {  	s25 =	simm.s32 $0x1B8E;
	s24 =	sld [smem:$0x3FFE];
	[sflag:s23] =	ssyncadd.s32 $0xFFFFFFFF  }
0xa5: {  	s26 =	simm.s32 $execute0_lowered;
	[smem:$0x3FD2] =	sst s25  }
0xa6: {  	s5 =	sshll.u32 s26, $0x1;
	_ =	strace $0x80000049;
	[dreg:$0x1] =	wrdreg $0xFFFFFFFF  }
0xa7: {  	s28 =	simm.s32 $_size_execute0_lowered;
	s3 =	sadd.s32 s3, s5;
	[dreg:$0x0] =	wrdreg $0x0  }
0xa8: {  	s5 =	sshll.u32 s28, $0x1;
	[dreg:$0x2] =	wrdreg s3  }
0xa9: {  	[dreg:$0x3] =	wrdreg s5  }
0xaa: {  	[dreg:$0x4] =	wrdreg $0xC0  }
0xab: {  	_ =	task [dreg:s7], $0x5FFFF  }
0xac: {  	[dreg:$0x1] =	wrdreg $0xFFFFFFFF  }
0xad: {  	[dreg:$0x0] =	wrdreg $0x60  }
0xae: {  	[dreg:$0x2] =	wrdreg s24  }
0xaf: {  	[dreg:$0x3] =	wrdreg s2  }
0xb0: {  	[dreg:$0x4] =	wrdreg $0x0  }
0xb1: {  	[dreg:$0x5] =	wrdreg $0x9  }
0xb2: {  	_ =	task.clear_ibuf [dreg:s7], $0x6FFFF;
	_ =	strace $0x90000049  }
0xb3: {  	s29 =	simm.s32 $0x9;
	_ =	strace $0x8000004B  }
0xb4: {  	_ =	swait.ge [sflag:s29], $0x1  }
0xb5: {  	[sflag:s29] =	ssyncadd.s32 $0xFFFFFFFF  }
0xb6: {  	_ =	strace $0x9000004B  }
0xb7: {  	_ =	sfence  }
0xb8: {  	s30 =	sld [smem:$0x0];
	_ =	sdelay $0x2  }
0xb9: {  	s31 =	sshll.u32 s1, $0xD;
	s1 =	sshrl.u32 s1, $0x2  }
0xba: {  	s3 =	sand.u32 $0x4000, s31;
	s1 =	sadd.s32 s1, s30  }
0xbb: {  	s0 =	sor.u32 s3, s0;
	s1 =	sshll.u32 s1, $0x11  }
0xbc: {  	s0 =	sor.u32 s1, s0  }
0xbd: {  	s0 =	sadd.s32 $0x8F2B, s0  }
0xbe: {  	[sflag:s0] =	ssyncadd.remote.s32 $0x1  }
0xbf: {  	_ =	sfence.sel $0xFFFF  }
0xc0: {  	[dreg:$0x0] =	wrdreg $0xFFFFFFFF;
	(pc) =	sbr.abs _section_cstart, $3  }
0xc1: {  	[dreg:$0x1] =	wrdreg $0xFFFFFFFF  }
0xc2: {  	_ =	task.clear_ibuf [dreg:s7], $0x2FFFF;
	_ =	strace $0x9FFFFFFF  }
0xc3: {  	(tm) =	ssettm $0x7FFFFFFF  }
tec
execute0_lowered:
.L_overlay_start_1:
0x0: {  	(tag) =	ssettag $0x1  }
0x1: {  	s6 =	rddreg [dreg:$0x0]  }
0x2: {  	s1 =	srdreg.scid;
	s8 =	rddreg [dreg:$0x1]  }
0x3: {  	s0 =	stileid.u32;
	s2 =	rddreg [dreg:$0x2]  }
0x4: {  	s3 =	simm.s32 $0x0;
	s17 =	simm.s32 $0x80;
	s18 =	simm.s32 $0x19800  }
0x5: {  	s19 =	simm.s32 $0x19000;
	s20 =	simm.s32 $0x2;
	s21 =	simm.s32 $0x1  }
0x6: {  	s22 =	simm.s32 $0x0;
	s7 =	sand.u32 $0x1, s1;
	s1 =	rddreg [dreg:$0x3]  }
0x7: {  	s26 =	sshll.u32 s0, $0x1;
	s11 =	smul.u32 $0x14000, s0;
	[smem:$0x7FF] =	sst s3  }
0x8: {  	s4 =	sadd.s32 $0xB600, s6;
	s5 =	sadd.s32 $0x4FB600, s6;
	s28 =	smul.u32 $0x50000, s0  }
0x9: {  	s31 =	sshll.u32 s0, $0x6;
	s10 =	sor.u32 s7, s26;
	s12 =	smul.u32 $0x140000, s7  }
0xa: {  	_ =	strace $0x8000004A;
	s7 =	ssub.s32 $0x2, s7;
	s9 =	smul.u32 $0x500, s10  }
0xb: {  	s14 =	sshrl.u32 s11, $0x3;
	s29 =	sshrl.u32 s7, $0x1;
	s30 =	sshrl.u32 s28, $0x2  }
0xc: {  	s10 =	smul.u32 $0x4F, s10;
	s11 =	sadd.s32 s11, s12;
	s14 =	sadd.s32 s14, s6  }
0xd: {  	s15 =	ssub.s32 s7, s29;
	s16 =	sadd.s32 s30, s2;
	s7 =	sor.u32 $0x1C03, s31  }
0xe: {  	s13 =	sadd.s32 s9, s6;
	s11 =	sshrl.u32 s11, $0x3;
	s8 =	sadd.s32 s8, s9  }
0xf: {  	s12 =	smax.u32 s15, $0x1;
	s15 =	simm.s32 $0x14000;
	s11 =	sadd.s32 s11, s6  }
0x10: {  	s6 =	sadd.s32 $0x33600, s14;
	s9 =	sadd.s32 $0x1600, s13;
	s13 =	sshrl.u32 s16, $0x3  }
0x11: {  	s14 =	simm.s32 $0x3;
	s16 =	simm.s32 $0x16800;
	s11 =	sadd.s32 $0x5B600, s11  }
.LBB2_1:
0x12: {  	[spmem:s13], [sflag:s7] =	dma.local [hbm:s6], $0x2800  }
0x13: {  	_ =	swait.ge [sflag:s14], $0x2800  }
0x14: {  	[sflag:s14] =	ssyncset.done $0x0  }
0x15: {  	[sflag:s14] =	ssyncadd.s32 $0xFFFFD800  }
0x16: {  	[tilespmem:s15], [sflag:$0x3] =	stream.linear.gather [hbm4b:s8+s3], $0x2780, $0x38;
	[tilespmem:$0x1D800] =	vst v63  }
0x17: {  	_ =	swait.ge [sflag:s14], $0x2780  }
0x18: {  	[sflag:s14] =	ssyncset.done $0x0  }
0x19: {  	[sflag:s14] =	ssyncadd.s32 $0xFFFFD880  }
0x1a: {  	[tilespmem:s16], [sflag:$0x3] =	stream.linear.gather [hbm4b:s9+s3], $0x2780, $0x38;
	[tilespmem:$0x1D800] =	vst v63  }
0x1b: {  	_ =	swait.ge [sflag:s14], $0x2780  }
0x1c: {  	[sflag:s14] =	ssyncset.done $0x0  }
0x1d: {  	[sflag:s14] =	ssyncadd.s32 $0xFFFFD880  }
0x1e: {  	s23 =	simm.s32 $0x0;
	[bflag:$0x0] =	sbarrier.arrive $0xFFFF  }
.LBB2_2:
0x1f: {  	s24 =	sshll.u32 s23, $0x7  }
0x20: {  	s30 =	sadd.s32 s10, s23;
	s25 =	sadd.s32 $0x16800, s24  }
0x21: {  	[tilespmem:s18], [sflag:$0x1] =	stream.indirect.gather [hbm4b:s4+s17], $0x80, s25, s17, $0xb8;
	[tilespmem:$0x1D800] =	vst v63  }
0x22: {  	s25 =	sshll.u32 s30, $0x8  }
0x23: {  	s26 =	simm.s32 $0x0;
	s25 =	sadd.s32 s5, s25  }
0x24: {  	[tilespmem:s19], [sflag:$0x2] =	stream.linear.gather [hbm4b:s25+s26], $0x800, $0x38;
	[tilespmem:$0x1D800] =	vst v63  }
0x25: {  	_ =	swait.ge [sflag:s20], $0x800  }
0x26: {  	[sflag:s20] =	ssyncset.done $0x0  }
0x27: {  	[sflag:s20] =	ssyncadd.s32 $0xFFFFF800  }
0x28: {  	_ =	swait.ge [sflag:s21], $0x4000  }
0x29: {  	[sflag:s21] =	ssyncset.done $0x0  }
0x2a: {  	s25 =	simm.s32 $0x19840;
	[sflag:s21] =	ssyncadd.s32 $0xFFFFC000  }
0x2b: {  	v4 =	vld [tilespmem:s25+$0x30]  }
0x2c: {  	v7 =	vld [tilespmem:s25+$0x10]  }
0x2d: {  	s31 =	simm.s32 $0x0;
	v5 =	vld [tilespmem:s25+$0xFFFFFFC0]  }
0x2e: {  	v1 =	vld [tilespmem:s31+$0x19000]  }
0x2f: {  	v9 =	vld [tilespmem:s25+$0xFFFFFFE0]  }
0x30: {  	v0 =	vld [tilespmem:s25+$0xFFFFFFF0]  }
0x31: {  	v2 =	vld [tilespmem:s25+$0x20]  }
0x32: {  	v3 =	vld [tilespmem:s25+$0xFFFFFFD0]  }
0x33: {  	v8 =	vmul.f32 v4, v1;
	v4 =	vld [tilespmem:s25+$0x0]  }
0x34: {  	v6 =	vmul.f32 v5, v1  }
0x35: {  	s28 =	simm.s32 $0x19840;
	s26 =	simm.s32 $0x40;
	v5 =	vmul.f32 v9, v1;
	v7 =	vmul.f32 v7, v1  }
.LBB2_3:
0x36: {  	p0 =	sne.s32 s26, $0x1FC0  }
0x37: {  	v3 =	vmul.f32 v3, v1;
	v2 =	vmul.f32 v2, v1;
	[tilespmem:s25+$0x30] =	vst v8;
	s28 =	sadd.s32 $0x80, s28;
	s29 =	smov.u32 s26;
	s26 =	sadd.s32 $0x40, s26  }
0x38: {  	[tilespmem:s25+$0xFFFFFFC0] =	vst v6;
	v6 =	vmul.f32 v0, v1;
	v1 =	vmul.f32 v4, v1  }
0x39: {  	[tilespmem:s25+$0x10] =	vst v7  }
0x3a: {  	v0 =	vld [tilespmem:s28+$0xFFFFFFF0];
	[tilespmem:s25+$0xFFFFFFE0] =	vst v5  }
0x3b: {  	v5 =	vld [tilespmem:s28+$0x30];
	[tilespmem:s25+$0xFFFFFFF0] =	vst v6  }
0x3c: {  	v7 =	vld [tilespmem:s28+$0x10];
	[tilespmem:s25+$0x0] =	vst v1  }
0x3d: {  	v6 =	vld [tilespmem:s28+$0xFFFFFFC0];
	[tilespmem:s25+$0x20] =	vst v2  }
0x3e: {  	s29 =	sshra.s32 s29, $0x2;
	v9 =	vld [tilespmem:s28+$0xFFFFFFE0];
	[tilespmem:s25+$0xFFFFFFD0] =	vst v3;
	s25 =	smov.u32 s28  }
0x3f: {  	v1 =	vld [tilespmem:s29+$0x19000]  }
0x40: {  	v2 =	vld [tilespmem:s28+$0x20]  }
.Ltmp0:
0x41: {  	v3 =	vld [tilespmem:s28+$0xFFFFFFD0];
	(pc) =	sbr.rel @p0 .LBB2_3-.Ltmp0, $3  }
0x42: {  	v4 =	vld [tilespmem:s28+$0x0];
	_ =	sdelay $0x1  }
0x43: {  	v6 =	vmul.f32 v6, v1;
	v8 =	vmul.f32 v5, v1  }
0x44: {  	v5 =	vmul.f32 v9, v1;
	v7 =	vmul.f32 v7, v1  }
0x45: {  	[tilespmem:s25+$0x30] =	vst v8  }
0x46: {  	[tilespmem:s25+$0xFFFFFFC0] =	vst v6  }
0x47: {  	v0 =	vmul.f32 v0, v1;
	[tilespmem:s25+$0x10] =	vst v7  }
0x48: {  	v2 =	vmul.f32 v2, v1;
	[tilespmem:s25+$0xFFFFFFE0] =	vst v5  }
0x49: {  	v63 =	vmul.f32 v3, v1;
	[tilespmem:s25+$0xFFFFFFF0] =	vst v0  }
0x4a: {  	s23 =	sadd.s32 $0x1, s23;
	v4 =	vmul.f32 v4, v1;
	[tilespmem:s25+$0x20] =	vst v2  }
0x4b: {  	p0 =	sne.s32 s23, $0x4F;
	[tilespmem:s25+$0xFFFFFFD0] =	vst v63  }
.Ltmp1:
0x4c: {  	s24 =	sadd.s32 $0x14000, s24;
	[tilespmem:s25+$0x0] =	vst v4;
	(pc) =	sbr.rel @p0 .LBB2_2-.Ltmp1, $4  }
0x4d: {  	[spmem:s2] =	stream.indirect.scatter.add.f32 [tilespmem:s18], [sflag:$0x3], $0x80, s24, s17, $0xb8;
	[tilespmem:$0x1D800] =	vst v63  }
0x4e: {  	_ =	swait.ge [sflag:s14], $0x4000  }
0x4f: {  	[sflag:s14] =	ssyncset.done $0x0  }
0x50: {  	[sflag:s14] =	ssyncadd.s32 $0xFFFFC000  }
0x51: {  	s22 =	sadd.s32 $0x1, s22  }
0x52: {  	p0 =	sne.s32 s22, s12  }
.Ltmp2:
0x53: {  	[bflag:$0x0] =	sbarrier.arrive $0xFFFF;
	(pc) =	sbr.rel @p0 .LBB2_1-.Ltmp2, $4  }
0x54: {  	[hbm:s11], [sflag:s7] =	dma.local [spmem:s13], $0x2800  }
0x55: {  	_ =	swait.ge [sflag:s14], $0x2800  }
0x56: {  	[sflag:s14] =	ssyncset.done $0x0  }
0x57: {  	[sflag:s14] =	ssyncadd.s32 $0xFFFFD800  }
0x58: {  	_ =	sfence.sel $0x180000  }
0x59: {  	[bflag:$0x0] =	sbarrier.arrive $0xFFFF  }
0x5a: {  	p0 =	sne.s32 s0, $0x0;
	_ =	strace $0x9000004A  }
0x5b: {  	s0 =	sadd.s32 @!p0 $0x100000, s1;
	[bflag:$0x2] =	sbarrier.arrive $0xFFFF  }
0x5c: {  	[sflag:s0] =	ssyncadd.tile.s32 @!p0 $0x1;
	_ =	shalt  }
.Lfunc_end2:
_tile_overlayer_lowered:
.L_overlay_start_2:
0x5d: {  	(tag) =	ssettag $0x2  }
0x5e: {  	s0 =	rddreg [dreg:$0x0];
	s2 =	stileid.u32  }
0x5f: {  	s1 =	rddreg [dreg:$0x1];
	p0 =	sne.s32 s2, $0x0  }
0x60: {  	s3 =	rddreg [dreg:$0x2];
	[bflag:$0x3] =	sbarrier.arrive $0xFFFF;
	s2 =	simm.s32 @!p0 $0x1C03  }
0x61: {  	[timem:s3], [sflag:s2] =	dma.local @!p0 [hbm:s0], s1  }
0x62: {  	s0 =	simm.s32 @!p0 $0x3  }
0x63: {  	_ =	swait.ge @!p0 [sflag:s0], s1  }
0x64: {  	s1 =	ssub.s32 @!p0 $0x0, s1;
	[sflag:s0] =	ssyncset.done @!p0 $0x0  }
0x65: {  	[sflag:s0] =	ssyncadd.s32 @!p0 s1  }
0x66: {  	[bflag:$0x3] =	sbarrier.arrive $0xFFFF  }
0x67: {  	_ =	shalt  }

</sc_bundles>
